<compile_context>
chip_gen: v7x
topology: tpu7x:2x2x1
jax: 0.10.2.dev20260603
libtpu: 0.0.44.dev20260713+nightly
codegen_flags: <defaults>
</compile_context>

<pallas_src>
import functools
import jax
import jax.numpy as jnp
from jax import lax
from jax.experimental import pallas as pl
from jax.experimental.pallas import tpu as pltpu
from jax.experimental.pallas import tpu_sc as plsc

N_FRAMES = 512
N_PIX = 128
N_CH = 3
BATCH = 64
PER_STEP = 8
STEPS = BATCH // PER_STEP

NC, NS = 2, 16
NW = NC * NS
B_PER_W = BATCH // NW


def _sc_gather(idx, Mmu, Mlv):
    mesh = plsc.VectorSubcoreMesh(core_axis_name="c", subcore_axis_name="s")

    @functools.partial(
        pl.kernel, mesh=mesh,
        out_type=[
            jax.ShapeDtypeStruct((BATCH, N_PIX, N_PIX), jnp.float32),
            jax.ShapeDtypeStruct((BATCH, N_PIX, N_PIX), jnp.float32),
        ],
        scratch_types=[
            pltpu.VMEM((B_PER_W,), jnp.int32),
            pltpu.VMEM((B_PER_W, N_PIX, N_PIX), jnp.float32),
            pltpu.SemaphoreType.DMA,
        ],
    )
    def k(idx_hbm, mmu_hbm, mlv_hbm, gmu_hbm, glv_hbm, idx_v, rows_v, sem):
        wid = lax.axis_index("s") * NC + lax.axis_index("c")
        base = wid * B_PER_W
        pltpu.sync_copy(idx_hbm.at[wid], idx_v)
        pltpu.async_copy(mmu_hbm.at[idx_v], rows_v, sem).wait()
        pltpu.sync_copy(rows_v, gmu_hbm.at[pl.ds(base, B_PER_W)])
        pltpu.async_copy(mlv_hbm.at[idx_v], rows_v, sem).wait()
        pltpu.sync_copy(rows_v, glv_hbm.at[pl.ds(base, B_PER_W)])

    return k(idx, Mmu, Mlv)


def _sig(x):
    return 0.5 + 0.5 * jnp.tanh(0.5 * x)


def _rtvf_body(idx_ref, gmu_ref, glv_ref, c_ref, *refs):
    b_ref, v_ref, ns_ref, nh_ref = refs[PER_STEP:PER_STEP + 4]
    out_ref = refs[-1]
    step = pl.program_id(0)

    for k in range(PER_STEP):
        h_ref = refs[k]
        f = idx_ref[step * PER_STEP + k]
        c = c_ref[0, f]

        th = jnp.tanh(0.5 * gmu_ref[k])
        a = 0.5 - 0.5 * th
        one_m_a = 0.5 + 0.5 * th
        e = jnp.exp(glv_ref[k])
        ns = ns_ref[k]
        nh = nh_ref[k]

        for ch in range(N_CH):
            s = b_ref[ch] + c * v_ref[0, ch]
            hc = h_ref[0, ch]
            t = a * s + one_m_a * hc + e * (s * s * ns + hc * hc * nh)
            out_ref[k, ch] = _sig(t)


def kernel(index, img, B, V, C, Mmu, Mlv, H, noise_S, noise_H):
    del img
    idx = index.astype(jnp.int32)
    ht = jnp.transpose(H, (0, 3, 1, 2))
    vt = jnp.transpose(V, (0, 3, 1, 2))
    bt = jnp.transpose(B, (2, 0, 1))
    ct = jnp.transpose(C, (1, 0))
    ns = noise_S.reshape(BATCH, N_PIX, N_PIX)
    nh = noise_H.reshape(BATCH, N_PIX, N_PIX)

    gmu, glv = _sc_gather(idx.reshape(NW, B_PER_W), Mmu, Mlv)

    def gspec4(k):
        return lambda b, i: (i[b * PER_STEP + k], 0, 0, 0)

    in_specs = [
        pl.BlockSpec((PER_STEP, N_PIX, N_PIX), lambda b, i: (b, 0, 0)),
        pl.BlockSpec((PER_STEP, N_PIX, N_PIX), lambda b, i: (b, 0, 0)),
        pl.BlockSpec(memory_space=pltpu.SMEM),
    ]
    operands = [gmu, glv, ct]
    for k in range(PER_STEP):
        in_specs.append(pl.BlockSpec((1, N_CH, N_PIX, N_PIX), gspec4(k)))
        operands.append(ht)
    in_specs.extend([
        pl.BlockSpec((N_CH, N_PIX, N_PIX), lambda b, i: (0, 0, 0)),
        pl.BlockSpec((1, N_CH, N_PIX, N_PIX),
                     lambda b, i: (0, 0, 0, 0)),
        pl.BlockSpec((PER_STEP, N_PIX, N_PIX), lambda b, i: (b, 0, 0)),
        pl.BlockSpec((PER_STEP, N_PIX, N_PIX), lambda b, i: (b, 0, 0)),
    ])
    operands.extend([bt, vt, ns, nh])

    grid_spec = pltpu.PrefetchScalarGridSpec(
        num_scalar_prefetch=1,
        grid=(STEPS,),
        in_specs=in_specs,
        out_specs=pl.BlockSpec((PER_STEP, N_CH, N_PIX, N_PIX),
                               lambda b, i: (b, 0, 0, 0)),
    )

    out = pl.pallas_call(
        _rtvf_body,
        grid_spec=grid_spec,
        out_shape=jax.ShapeDtypeStruct((BATCH, N_CH, N_PIX, N_PIX),
                                       jnp.float32),
        compiler_params=pltpu.CompilerParams(
            dimension_semantics=("arbitrary",),
        ),
    )(idx, *operands)

    return jnp.transpose(out, (0, 2, 3, 1))

# --- scband reference (transcript-rebuilt; emitter-appended) ---
"""Pipeline reference for scband-rtvf-40072044872157 (READ-ONLY COPY).

The authoritative reference and input builder live on the scoring server;
editing this copy changes nothing except your own understanding.
"""

import jax, jax.numpy as jnp
import numpy as np

N_FRAMES = 512
N_PIX = 128
N_CH = 3
K = 1
BATCH = 64


def setup_inputs(seed: int = 0) -> dict:
    key = jax.random.key(seed)
    ks = jax.random.split(key, 10)
    index = jax.random.randint(ks[0], (BATCH,), 0, N_FRAMES)
    img = jax.random.normal(ks[1], (BATCH, N_PIX, N_PIX, N_CH), dtype=jnp.float32)
    B = jax.random.normal(ks[2], (N_PIX, N_PIX, 3), dtype=jnp.float32)
    V = jax.random.normal(ks[3], (K, N_PIX, N_PIX, N_CH), dtype=jnp.float32)
    C = jax.random.normal(ks[4], (N_FRAMES, K), dtype=jnp.float32)
    Mmu = jax.random.normal(ks[5], (N_FRAMES, N_PIX, N_PIX), dtype=jnp.float32) - 2.0
    Mlv = jax.random.normal(ks[6], (N_FRAMES, N_PIX, N_PIX), dtype=jnp.float32)
    H = jax.random.normal(ks[7], (N_FRAMES, N_PIX, N_PIX, N_CH), dtype=jnp.float32)
    # torch.rand noise in mask_multiply, materialized here for determinism
    noise_S = jax.random.uniform(ks[8], (BATCH, N_PIX, N_PIX, 1), dtype=jnp.float32)
    noise_H = jax.random.uniform(ks[9], (BATCH, N_PIX, N_PIX, 1), dtype=jnp.float32)
    return {"index": index, "img": img, "B": B, "V": V, "C": C,
            "Mmu": Mmu, "Mlv": Mlv, "H": H,
            "noise_S": noise_S, "noise_H": noise_H}


def reference(index, img, B, V, C, Mmu, Mlv, H, noise_S, noise_H):
    # soft_image: gather C rows by frame index, scale basis V, add background B
    cV = jnp.take(C, index, axis=0)[:, :, None, None] * V  # [B,1,1,1]*[1,P,P,C] -> [B,P,P,C]
    S = B[None, ...] + cV
    # hard_image: gather per-frame H rows
    Himg = jnp.take(H, index, axis=0)

    def mask_multiply(image, noise, sign):
        mu = jax.nn.sigmoid(jnp.take(Mmu, index, axis=0)[..., None] * sign)
        lv = jnp.take(Mlv, index, axis=0)[..., None]
        mi = mu * image
        vi = jnp.exp(lv) * image * image
        return mi + vi * noise

    SM = mask_multiply(S, noise_S, -1.0)
    HM = mask_multiply(Himg, noise_H, 1.0)
    return jax.nn.sigmoid(SM + HM)

if __name__ == "__main__":
    import jax
    _d = setup_inputs()
    print(jax.jit(kernel)(*tuple(_d.values())))

</pallas_src>

<mosaic_0001>
#map = affine_map<(d0, d1) -> (0, 0)>
#map1 = affine_map<(d0, d1) -> (0, 0, 0)>
module attributes {stable_mosaic.version = 14 : i64} {
  func.func @k(%arg0: i32, %arg1: i32, %arg2: memref<32x2xi32, #tpu.memory_space<hbm>>, %arg3: memref<512x128x128xf32, #tpu.memory_space<hbm>>, %arg4: memref<512x128x128xf32, #tpu.memory_space<hbm>>, %arg5: memref<64x128x128xf32, #tpu.memory_space<hbm>>, %arg6: memref<64x128x128xf32, #tpu.memory_space<hbm>>, %arg7: memref<2xi32, #tpu.memory_space<vmem>>, %arg8: memref<2x128x128xf32, #tpu.memory_space<vmem>>, %arg9: memref<!tpu.dma_semaphore, #tpu.memory_space<semaphore_mem>>) attributes {dimension_semantics = [#tpu.dimension_semantics<core_parallel>, #tpu.dimension_semantics<subcore_parallel>], iteration_bounds = array<i64: 2, 16>, scalar_prefetch = 0 : i64, scratch_operands = 3 : i64, tpu.core_type = #tpu.core_type<sc_vector_subcore>, window_params = [{transform_indices = #map}, {transform_indices = #map1}, {transform_indices = #map1}, {transform_indices = #map1}, {transform_indices = #map1}]} {
    %mul3A = arith.constant 2 : i32
    %mul3A_0 = arith.muli %arg1, %mul3A : i32
    %add3A = arith.addi %mul3A_0, %arg0 : i32
    %mul3A_1 = arith.constant 2 : i32
    %mul3A_2 = arith.muli %add3A, %mul3A_1 : i32
    "tpu.region"() ({
      %run_scoped3A = tpu.sem_alloc : memref<!tpu.dma_semaphore, #tpu.memory_space<semaphore_mem>>
      %dma_start3A_17 = arith.constant 0 : i32
      %dma_start3A_18 = tpu.memref_slice %arg2[%add3A, %dma_start3A_17] : memref<32x2xi32, #tpu.memory_space<hbm>> -> memref<1x2xi32, #tpu.memory_space<hbm>>
      %dma_start3A_19 = tpu.memref_squeeze %dma_start3A_18 : memref<1x2xi32, #tpu.memory_space<hbm>> -> memref<2xi32, #tpu.memory_space<hbm>>
      %dma_start3A_20 = arith.constant 0 : i32
      %dma_start3A_21 = tpu.memref_slice %arg2[%add3A, %dma_start3A_20] : memref<32x2xi32, #tpu.memory_space<hbm>> -> memref<1x2xi32, #tpu.memory_space<hbm>>
      %dma_start3A_22 = tpu.memref_squeeze %dma_start3A_21 : memref<1x2xi32, #tpu.memory_space<hbm>> -> memref<2xi32, #tpu.memory_space<hbm>>
      tpu.enqueue_dma source(%dma_start3A_22 : memref<2xi32, #tpu.memory_space<hbm>>) target(%arg7 : memref<2xi32, #tpu.memory_space<vmem>>) target_semaphore(%run_scoped3A : memref<!tpu.dma_semaphore, #tpu.memory_space<semaphore_mem>>)
      %dma_wait3A_23 = arith.constant 0 : i32
      %dma_wait3A_24 = tpu.memref_slice %arg2[%add3A, %dma_wait3A_23] : memref<32x2xi32, #tpu.memory_space<hbm>> -> memref<1x2xi32, #tpu.memory_space<hbm>>
      %dma_wait3A_25 = tpu.memref_squeeze %dma_wait3A_24 : memref<1x2xi32, #tpu.memory_space<hbm>> -> memref<2xi32, #tpu.memory_space<hbm>>
      %dma_wait3A_26 = arith.constant 0 : i32
      %dma_wait3A_27 = tpu.memref_slice %arg2[%add3A, %dma_wait3A_26] : memref<32x2xi32, #tpu.memory_space<hbm>> -> memref<1x2xi32, #tpu.memory_space<hbm>>
      %dma_wait3A_28 = tpu.memref_squeeze %dma_wait3A_27 : memref<1x2xi32, #tpu.memory_space<hbm>> -> memref<2xi32, #tpu.memory_space<hbm>>
      tpu.wait_dma2 semaphore(%run_scoped3A : memref<!tpu.dma_semaphore, #tpu.memory_space<semaphore_mem>>) src(%dma_wait3A_28 : memref<2xi32, #tpu.memory_space<hbm>>) dst(%arg7 : memref<2xi32, #tpu.memory_space<vmem>>)
      tpu.yield
    }) : () -> ()
    %dma_start3A = arith.constant 0 : i32
    %dma_start3A_3 = arith.constant 0 : i32
    %dma_start3A_4 = arith.constant 0 : i32
    %dma_start3A_5 = tpu.memref_slice %arg3[%dma_start3A, %dma_start3A_3, %dma_start3A_4] : memref<512x128x128xf32, #tpu.memory_space<hbm>> -> memref<512x128x128xf32, #tpu.memory_space<hbm>>
    tpu.enqueue_indirect_dma source(%dma_start3A_5 : memref<512x128x128xf32, #tpu.memory_space<hbm>>) target(%arg8 : memref<2x128x128xf32, #tpu.memory_space<vmem>>) offsets(%arg7 : memref<2xi32, #tpu.memory_space<vmem>>) semaphore(%arg9 : memref<!tpu.dma_semaphore, #tpu.memory_space<semaphore_mem>>)
    %dma_wait3A = arith.constant 0 : i32
    %dma_wait3A_6 = arith.constant 0 : i32
    %dma_wait3A_7 = arith.constant 0 : i32
    %dma_wait3A_8 = tpu.memref_slice %arg3[%dma_wait3A, %dma_wait3A_6, %dma_wait3A_7] : memref<512x128x128xf32, #tpu.memory_space<hbm>> -> memref<512x128x128xf32, #tpu.memory_space<hbm>>
    tpu.wait_indirect_dma semaphore(%arg9 : memref<!tpu.dma_semaphore, #tpu.memory_space<semaphore_mem>>) src(%dma_wait3A_8 : memref<512x128x128xf32, #tpu.memory_space<hbm>>) dst(%arg8 : memref<2x128x128xf32, #tpu.memory_space<vmem>>)
    "tpu.region"() ({
      %run_scoped3A = tpu.sem_alloc : memref<!tpu.dma_semaphore, #tpu.memory_space<semaphore_mem>>
      %dma_start3A_17 = arith.constant 0 : i32
      %dma_start3A_18 = arith.constant 0 : i32
      %dma_start3A_19 = tpu.memref_slice %arg5[%mul3A_2, %dma_start3A_17, %dma_start3A_18] : memref<64x128x128xf32, #tpu.memory_space<hbm>> -> memref<2x128x128xf32, #tpu.memory_space<hbm>>
      %dma_start3A_20 = arith.constant 0 : i32
      %dma_start3A_21 = arith.constant 0 : i32
      %dma_start3A_22 = tpu.memref_slice %arg5[%mul3A_2, %dma_start3A_20, %dma_start3A_21] : memref<64x128x128xf32, #tpu.memory_space<hbm>> -> memref<2x128x128xf32, #tpu.memory_space<hbm>>
      tpu.enqueue_dma source(%arg8 : memref<2x128x128xf32, #tpu.memory_space<vmem>>) target(%dma_start3A_22 : memref<2x128x128xf32, #tpu.memory_space<hbm>>) target_semaphore(%run_scoped3A : memref<!tpu.dma_semaphore, #tpu.memory_space<semaphore_mem>>)
      %dma_wait3A_23 = arith.constant 0 : i32
      %dma_wait3A_24 = arith.constant 0 : i32
      %dma_wait3A_25 = tpu.memref_slice %arg5[%mul3A_2, %dma_wait3A_23, %dma_wait3A_24] : memref<64x128x128xf32, #tpu.memory_space<hbm>> -> memref<2x128x128xf32, #tpu.memory_space<hbm>>
      %dma_wait3A_26 = arith.constant 0 : i32
      %dma_wait3A_27 = arith.constant 0 : i32
      %dma_wait3A_28 = tpu.memref_slice %arg5[%mul3A_2, %dma_wait3A_26, %dma_wait3A_27] : memref<64x128x128xf32, #tpu.memory_space<hbm>> -> memref<2x128x128xf32, #tpu.memory_space<hbm>>
      tpu.wait_dma2 semaphore(%run_scoped3A : memref<!tpu.dma_semaphore, #tpu.memory_space<semaphore_mem>>) src(%arg8 : memref<2x128x128xf32, #tpu.memory_space<vmem>>) dst(%dma_wait3A_28 : memref<2x128x128xf32, #tpu.memory_space<hbm>>)
      tpu.yield
    }) : () -> ()
    %dma_start3A_9 = arith.constant 0 : i32
    %dma_start3A_10 = arith.constant 0 : i32
    %dma_start3A_11 = arith.constant 0 : i32
    %dma_start3A_12 = tpu.memref_slice %arg4[%dma_start3A_9, %dma_start3A_10, %dma_start3A_11] : memref<512x128x128xf32, #tpu.memory_space<hbm>> -> memref<512x128x128xf32, #tpu.memory_space<hbm>>
    tpu.enqueue_indirect_dma source(%dma_start3A_12 : memref<512x128x128xf32, #tpu.memory_space<hbm>>) target(%arg8 : memref<2x128x128xf32, #tpu.memory_space<vmem>>) offsets(%arg7 : memref<2xi32, #tpu.memory_space<vmem>>) semaphore(%arg9 : memref<!tpu.dma_semaphore, #tpu.memory_space<semaphore_mem>>)
    %dma_wait3A_13 = arith.constant 0 : i32
    %dma_wait3A_14 = arith.constant 0 : i32
    %dma_wait3A_15 = arith.constant 0 : i32
    %dma_wait3A_16 = tpu.memref_slice %arg4[%dma_wait3A_13, %dma_wait3A_14, %dma_wait3A_15] : memref<512x128x128xf32, #tpu.memory_space<hbm>> -> memref<512x128x128xf32, #tpu.memory_space<hbm>>
    tpu.wait_indirect_dma semaphore(%arg9 : memref<!tpu.dma_semaphore, #tpu.memory_space<semaphore_mem>>) src(%dma_wait3A_16 : memref<512x128x128xf32, #tpu.memory_space<hbm>>) dst(%arg8 : memref<2x128x128xf32, #tpu.memory_space<vmem>>)
    "tpu.region"() ({
      %run_scoped3A = tpu.sem_alloc : memref<!tpu.dma_semaphore, #tpu.memory_space<semaphore_mem>>
      %dma_start3A_17 = arith.constant 0 : i32
      %dma_start3A_18 = arith.constant 0 : i32
      %dma_start3A_19 = tpu.memref_slice %arg6[%mul3A_2, %dma_start3A_17, %dma_start3A_18] : memref<64x128x128xf32, #tpu.memory_space<hbm>> -> memref<2x128x128xf32, #tpu.memory_space<hbm>>
      %dma_start3A_20 = arith.constant 0 : i32
      %dma_start3A_21 = arith.constant 0 : i32
      %dma_start3A_22 = tpu.memref_slice %arg6[%mul3A_2, %dma_start3A_20, %dma_start3A_21] : memref<64x128x128xf32, #tpu.memory_space<hbm>> -> memref<2x128x128xf32, #tpu.memory_space<hbm>>
      tpu.enqueue_dma source(%arg8 : memref<2x128x128xf32, #tpu.memory_space<vmem>>) target(%dma_start3A_22 : memref<2x128x128xf32, #tpu.memory_space<hbm>>) target_semaphore(%run_scoped3A : memref<!tpu.dma_semaphore, #tpu.memory_space<semaphore_mem>>)
      %dma_wait3A_23 = arith.constant 0 : i32
      %dma_wait3A_24 = arith.constant 0 : i32
      %dma_wait3A_25 = tpu.memref_slice %arg6[%mul3A_2, %dma_wait3A_23, %dma_wait3A_24] : memref<64x128x128xf32, #tpu.memory_space<hbm>> -> memref<2x128x128xf32, #tpu.memory_space<hbm>>
      %dma_wait3A_26 = arith.constant 0 : i32
      %dma_wait3A_27 = arith.constant 0 : i32
      %dma_wait3A_28 = tpu.memref_slice %arg6[%mul3A_2, %dma_wait3A_26, %dma_wait3A_27] : memref<64x128x128xf32, #tpu.memory_space<hbm>> -> memref<2x128x128xf32, #tpu.memory_space<hbm>>
      tpu.wait_dma2 semaphore(%run_scoped3A : memref<!tpu.dma_semaphore, #tpu.memory_space<semaphore_mem>>) src(%arg8 : memref<2x128x128xf32, #tpu.memory_space<vmem>>) dst(%dma_wait3A_28 : memref<2x128x128xf32, #tpu.memory_space<hbm>>)
      tpu.yield
    }) : () -> ()
    return
  }
}

module attributes {stable_mosaic.version = 14 : i64} {
  func.func @_rtvf_body(%arg0: i32, %arg1: memref<64xi32, #tpu.memory_space<smem>>, %arg2: memref<8x128x128xf32, #tpu.memory_space<vmem>>, %arg3: memref<8x128x128xf32, #tpu.memory_space<vmem>>, %arg4: memref<1x512xf32, #tpu.memory_space<smem>>, %arg5: memref<1x3x128x128xf32, #tpu.memory_space<vmem>>, %arg6: memref<1x3x128x128xf32, #tpu.memory_space<vmem>>, %arg7: memref<1x3x128x128xf32, #tpu.memory_space<vmem>>, %arg8: memref<1x3x128x128xf32, #tpu.memory_space<vmem>>, %arg9: memref<1x3x128x128xf32, #tpu.memory_space<vmem>>, %arg10: memref<1x3x128x128xf32, #tpu.memory_space<vmem>>, %arg11: memref<1x3x128x128xf32, #tpu.memory_space<vmem>>, %arg12: memref<1x3x128x128xf32, #tpu.memory_space<vmem>>, %arg13: memref<3x128x128xf32, #tpu.memory_space<vmem>>, %arg14: memref<1x3x128x128xf32, #tpu.memory_space<vmem>>, %arg15: memref<8x128x128xf32, #tpu.memory_space<vmem>>, %arg16: memref<8x128x128xf32, #tpu.memory_space<vmem>>, %arg17: memref<8x3x128x128xf32, #tpu.memory_space<vmem>>) attributes {dimension_semantics = [#tpu.dimension_semantics<arbitrary>], iteration_bounds = array<i64: 8>, scalar_prefetch = 1 : i64, scratch_operands = 0 : i64, tpu.core_type = #tpu.core_type<tc>, window_params = [{transform_indices = @transform_0, window_bounds = array<i64: 8, 128, 128>}, {transform_indices = @transform_1, window_bounds = array<i64: 8, 128, 128>}, {transform_indices = @transform_2, window_bounds = array<i64: 1, 512>}, {transform_indices = @transform_3, window_bounds = array<i64: 1, 3, 128, 128>}, {transform_indices = @transform_4, window_bounds = array<i64: 1, 3, 128, 128>}, {transform_indices = @transform_5, window_bounds = array<i64: 1, 3, 128, 128>}, {transform_indices = @transform_6, window_bounds = array<i64: 1, 3, 128, 128>}, {transform_indices = @transform_7, window_bounds = array<i64: 1, 3, 128, 128>}, {transform_indices = @transform_8, window_bounds = array<i64: 1, 3, 128, 128>}, {transform_indices = @transform_9, window_bounds = array<i64: 1, 3, 128, 128>}, {transform_indices = @transform_10, window_bounds = array<i64: 1, 3, 128, 128>}, {pipeline_mode = #tpu.pipeline_mode<synchronous>, transform_indices = @transform_11, window_bounds = array<i64: 3, 128, 128>}, {pipeline_mode = #tpu.pipeline_mode<synchronous>, transform_indices = @transform_12, window_bounds = array<i64: 1, 3, 128, 128>}, {transform_indices = @transform_13, window_bounds = array<i64: 8, 128, 128>}, {transform_indices = @transform_14, window_bounds = array<i64: 8, 128, 128>}, {transform_indices = @transform_15, window_bounds = array<i64: 8, 3, 128, 128>}]} {
    %mul3A = arith.constant 8 : i32
    %mul3A_0 = arith.muli %arg0, %mul3A : i32
    %add3A = arith.constant 0 : i32
    %add3A_1 = arith.addi %mul3A_0, %add3A : i32
    %get3A = arith.index_cast %add3A_1 : i32 to index
    %get3A_2 = memref.load %arg1[%get3A] : memref<64xi32, #tpu.memory_space<smem>>
    %get3A_3 = arith.constant 0 : index
    %get3A_4 = arith.index_cast %get3A_2 : i32 to index
    %get3A_5 = memref.load %arg4[%get3A_3, %get3A_4] : memref<1x512xf32, #tpu.memory_space<smem>>
    %get3A_6 = arith.constant 0 : index
    %get3A_7 = arith.constant 0 : index
    %get3A_8 = arith.constant 0 : index
    %get3A_9 = vector.load %arg2[%get3A_6, %get3A_7, %get3A_8] : memref<8x128x128xf32, #tpu.memory_space<vmem>>, vector<1x128x128xf32>
    %get3A_10 = vector.shape_cast %get3A_9 : vector<1x128x128xf32> to vector<128x128xf32>
    %mul3A_11 = arith.constant 5.000000e-01 : f32
    %mul3A_12 = vector.broadcast %mul3A_11 : f32 to vector<128x128xf32>
    %mul3A_13 = arith.mulf %mul3A_12, %get3A_10 : vector<128x128xf32>
    %tanh3A = math.tanh %mul3A_13 : vector<128x128xf32>
    %mul3A_14 = arith.constant 5.000000e-01 : f32
    %mul3A_15 = vector.broadcast %mul3A_14 : f32 to vector<128x128xf32>
    %mul3A_16 = arith.mulf %mul3A_15, %tanh3A : vector<128x128xf32>
    %sub3A = arith.constant 5.000000e-01 : f32
    %sub3A_17 = vector.broadcast %sub3A : f32 to vector<128x128xf32>
    %sub3A_18 = arith.subf %sub3A_17, %mul3A_16 : vector<128x128xf32>
    %mul3A_19 = arith.constant 5.000000e-01 : f32
    %mul3A_20 = vector.broadcast %mul3A_19 : f32 to vector<128x128xf32>
    %mul3A_21 = arith.mulf %mul3A_20, %tanh3A : vector<128x128xf32>
    %add3A_22 = arith.constant 5.000000e-01 : f32
    %add3A_23 = vector.broadcast %add3A_22 : f32 to vector<128x128xf32>
    %add3A_24 = arith.addf %add3A_23, %mul3A_21 : vector<128x128xf32>
    %get3A_25 = arith.constant 0 : index
    %get3A_26 = arith.constant 0 : index
    %get3A_27 = arith.constant 0 : index
    %get3A_28 = vector.load %arg3[%get3A_25, %get3A_26, %get3A_27] : memref<8x128x128xf32, #tpu.memory_space<vmem>>, vector<1x128x128xf32>
    %get3A_29 = vector.shape_cast %get3A_28 : vector<1x128x128xf32> to vector<128x128xf32>
    %exp3A = math.exp %get3A_29 : vector<128x128xf32>
    %get3A_30 = arith.constant 0 : index
    %get3A_31 = arith.constant 0 : index
    %get3A_32 = arith.constant 0 : index
    %get3A_33 = vector.load %arg15[%get3A_30, %get3A_31, %get3A_32] : memref<8x128x128xf32, #tpu.memory_space<vmem>>, vector<1x128x128xf32>
    %get3A_34 = vector.shape_cast %get3A_33 : vector<1x128x128xf32> to vector<128x128xf32>
    %get3A_35 = arith.constant 0 : index
    %get3A_36 = arith.constant 0 : index
    %get3A_37 = arith.constant 0 : index
    %get3A_38 = vector.load %arg16[%get3A_35, %get3A_36, %get3A_37] : memref<8x128x128xf32, #tpu.memory_space<vmem>>, vector<1x128x128xf32>
    %get3A_39 = vector.shape_cast %get3A_38 : vector<1x128x128xf32> to vector<128x128xf32>
    %get3A_40 = arith.constant 0 : index
    %get3A_41 = arith.constant 0 : index
    %get3A_42 = arith.constant 0 : index
    %get3A_43 = vector.load %arg13[%get3A_40, %get3A_41, %get3A_42] : memref<3x128x128xf32, #tpu.memory_space<vmem>>, vector<1x128x128xf32>
    %get3A_44 = vector.shape_cast %get3A_43 : vector<1x128x128xf32> to vector<128x128xf32>
    %get3A_45 = arith.constant 0 : index
    %get3A_46 = arith.constant 0 : index
    %get3A_47 = arith.constant 0 : index
    %get3A_48 = arith.constant 0 : index
    %get3A_49 = vector.load %arg14[%get3A_45, %get3A_46, %get3A_47, %get3A_48] : memref<1x3x128x128xf32, #tpu.memory_space<vmem>>, vector<1x1x128x128xf32>
    %get3A_50 = vector.shape_cast %get3A_49 : vector<1x1x128x128xf32> to vector<128x128xf32>
    %mul3A_51 = vector.broadcast %get3A_5 : f32 to vector<128x128xf32>
    %mul3A_52 = arith.mulf %mul3A_51, %get3A_50 : vector<128x128xf32>
    %add3A_53 = arith.addf %get3A_44, %mul3A_52 : vector<128x128xf32>
    %get3A_54 = arith.constant 0 : index
    %get3A_55 = arith.constant 0 : index
    %get3A_56 = arith.constant 0 : index
    %get3A_57 = arith.constant 0 : index
    %get3A_58 = vector.load %arg5[%get3A_54, %get3A_55, %get3A_56, %get3A_57] : memref<1x3x128x128xf32, #tpu.memory_space<vmem>>, vector<1x1x128x128xf32>
    %get3A_59 = vector.shape_cast %get3A_58 : vector<1x1x128x128xf32> to vector<128x128xf32>
    %mul3A_60 = arith.mulf %sub3A_18, %add3A_53 : vector<128x128xf32>
    %mul3A_61 = arith.mulf %add3A_24, %get3A_59 : vector<128x128xf32>
    %add3A_62 = arith.addf %mul3A_60, %mul3A_61 : vector<128x128xf32>
    %mul3A_63 = arith.mulf %add3A_53, %add3A_53 : vector<128x128xf32>
    %mul3A_64 = arith.mulf %mul3A_63, %get3A_34 : vector<128x128xf32>
    %mul3A_65 = arith.mulf %get3A_59, %get3A_59 : vector<128x128xf32>
    %mul3A_66 = arith.mulf %mul3A_65, %get3A_39 : vector<128x128xf32>
    %add3A_67 = arith.addf %mul3A_64, %mul3A_66 : vector<128x128xf32>
    %mul3A_68 = arith.mulf %exp3A, %add3A_67 : vector<128x128xf32>
    %add3A_69 = arith.addf %add3A_62, %mul3A_68 : vector<128x128xf32>
    %mul3A_70 = arith.constant 5.000000e-01 : f32
    %mul3A_71 = vector.broadcast %mul3A_70 : f32 to vector<128x128xf32>
    %mul3A_72 = arith.mulf %mul3A_71, %add3A_69 : vector<128x128xf32>
    %tanh3A_73 = math.tanh %mul3A_72 : vector<128x128xf32>
    %mul3A_74 = arith.constant 5.000000e-01 : f32
    %mul3A_75 = vector.broadcast %mul3A_74 : f32 to vector<128x128xf32>
    %mul3A_76 = arith.mulf %mul3A_75, %tanh3A_73 : vector<128x128xf32>
    %add3A_77 = arith.constant 5.000000e-01 : f32
    %add3A_78 = vector.broadcast %add3A_77 : f32 to vector<128x128xf32>
    %add3A_79 = arith.addf %add3A_78, %mul3A_76 : vector<128x128xf32>
    %swap3A = arith.constant 0 : index
    %swap3A_80 = arith.constant 0 : index
    %swap3A_81 = arith.constant 0 : index
    %swap3A_82 = arith.constant 0 : index
    %swap3A_83 = vector.load %arg17[%swap3A, %swap3A_80, %swap3A_81, %swap3A_82] : memref<8x3x128x128xf32, #tpu.memory_space<vmem>>, vector<1x1x128x128xf32>
    %swap3A_84 = vector.shape_cast %swap3A_83 : vector<1x1x128x128xf32> to vector<128x128xf32>
    %swap3A_85 = vector.shape_cast %add3A_79 : vector<128x128xf32> to vector<1x1x128x128xf32>
    tpu.vector_store %arg17[%swap3A, %swap3A_80, %swap3A_81, %swap3A_82], %swap3A_85 {strides = array<i32>} : memref<8x3x128x128xf32, #tpu.memory_space<vmem>>, vector<1x1x128x128xf32>,
    %get3A_86 = arith.constant 1 : index
    %get3A_87 = arith.constant 0 : index
    %get3A_88 = arith.constant 0 : index
    %get3A_89 = vector.load %arg13[%get3A_86, %get3A_87, %get3A_88] : memref<3x128x128xf32, #tpu.memory_space<vmem>>, vector<1x128x128xf32>
    %get3A_90 = vector.shape_cast %get3A_89 : vector<1x128x128xf32> to vector<128x128xf32>
    %get3A_91 = arith.constant 0 : index
    %get3A_92 = arith.constant 1 : index
    %get3A_93 = arith.constant 0 : index
    %get3A_94 = arith.constant 0 : index
    %get3A_95 = vector.load %arg14[%get3A_91, %get3A_92, %get3A_93, %get3A_94] : memref<1x3x128x128xf32, #tpu.memory_space<vmem>>, vector<1x1x128x128xf32>
    %get3A_96 = vector.shape_cast %get3A_95 : vector<1x1x128x128xf32> to vector<128x128xf32>
    %mul3A_97 = vector.broadcast %get3A_5 : f32 to vector<128x128xf32>
    %mul3A_98 = arith.mulf %mul3A_97, %get3A_96 : vector<128x128xf32>
    %add3A_99 = arith.addf %get3A_90, %mul3A_98 : vector<128x128xf32>
    %get3A_100 = arith.constant 0 : index
    %get3A_101 = arith.constant 1 : index
    %get3A_102 = arith.constant 0 : index
    %get3A_103 = arith.constant 0 : index
    %get3A_104 = vector.load %arg5[%get3A_100, %get3A_101, %get3A_102, %get3A_103] : memref<1x3x128x128xf32, #tpu.memory_space<vmem>>, vector<1x1x128x128xf32>
    %get3A_105 = vector.shape_cast %get3A_104 : vector<1x1x128x128xf32> to vector<128x128xf32>
    %mul3A_106 = arith.mulf %sub3A_18, %add3A_99 : vector<128x128xf32>
    %mul3A_107 = arith.mulf %add3A_24, %get3A_105 : vector<128x128xf32>
    %add3A_108 = arith.addf %mul3A_106, %mul3A_107 : vector<128x128xf32>
    %mul3A_109 = arith.mulf %add3A_99, %add3A_99 : vector<128x128xf32>
    %mul3A_110 = arith.mulf %mul3A_109, %get3A_34 : vector<128x128xf32>
    %mul3A_111 = arith.mulf %get3A_105, %get3A_105 : vector<128x128xf32>
    %mul3A_112 = arith.mulf %mul3A_111, %get3A_39 : vector<128x128xf32>
    %add3A_113 = arith.addf %mul3A_110, %mul3A_112 : vector<128x128xf32>
    %mul3A_114 = arith.mulf %exp3A, %add3A_113 : vector<128x128xf32>
    %add3A_115 = arith.addf %add3A_108, %mul3A_114 : vector<128x128xf32>
    %mul3A_116 = arith.constant 5.000000e-01 : f32
    %mul3A_117 = vector.broadcast %mul3A_116 : f32 to vector<128x128xf32>
    %mul3A_118 = arith.mulf %mul3A_117, %add3A_115 : vector<128x128xf32>
    %tanh3A_119 = math.tanh %mul3A_118 : vector<128x128xf32>
    %mul3A_120 = arith.constant 5.000000e-01 : f32
    %mul3A_121 = vector.broadcast %mul3A_120 : f32 to vector<128x128xf32>
    %mul3A_122 = arith.mulf %mul3A_121, %tanh3A_119 : vector<128x128xf32>
    %add3A_123 = arith.constant 5.000000e-01 : f32
    %add3A_124 = vector.broadcast %add3A_123 : f32 to vector<128x128xf32>
    %add3A_125 = arith.addf %add3A_124, %mul3A_122 : vector<128x128xf32>
    %swap3A_126 = arith.constant 0 : index
    %swap3A_127 = arith.constant 1 : index
    %swap3A_128 = arith.constant 0 : index
    %swap3A_129 = arith.constant 0 : index
    %swap3A_130 = vector.load %arg17[%swap3A_126, %swap3A_127, %swap3A_128, %swap3A_129] : memref<8x3x128x128xf32, #tpu.memory_space<vmem>>, vector<1x1x128x128xf32>
    %swap3A_131 = vector.shape_cast %swap3A_130 : vector<1x1x128x128xf32> to vector<128x128xf32>
    %swap3A_132 = vector.shape_cast %add3A_125 : vector<128x128xf32> to vector<1x1x128x128xf32>
    tpu.vector_store %arg17[%swap3A_126, %swap3A_127, %swap3A_128, %swap3A_129], %swap3A_132 {strides = array<i32>} : memref<8x3x128x128xf32, #tpu.memory_space<vmem>>, vector<1x1x128x128xf32>,
    %get3A_133 = arith.constant 2 : index
    %get3A_134 = arith.constant 0 : index
    %get3A_135 = arith.constant 0 : index
    %get3A_136 = vector.load %arg13[%get3A_133, %get3A_134, %get3A_135] : memref<3x128x128xf32, #tpu.memory_space<vmem>>, vector<1x128x128xf32>
    %get3A_137 = vector.shape_cast %get3A_136 : vector<1x128x128xf32> to vector<128x128xf32>
    %get3A_138 = arith.constant 0 : index
    %get3A_139 = arith.constant 2 : index
    %get3A_140 = arith.constant 0 : index
    %get3A_141 = arith.constant 0 : index
    %get3A_142 = vector.load %arg14[%get3A_138, %get3A_139, %get3A_140, %get3A_141] : memref<1x3x128x128xf32, #tpu.memory_space<vmem>>, vector<1x1x128x128xf32>
    %get3A_143 = vector.shape_cast %get3A_142 : vector<1x1x128x128xf32> to vector<128x128xf32>
    %mul3A_144 = vector.broadcast %get3A_5 : f32 to vector<128x128xf32>
    %mul3A_145 = arith.mulf %mul3A_144, %get3A_143 : vector<128x128xf32>
    %add3A_146 = arith.addf %get3A_137, %mul3A_145 : vector<128x128xf32>
    %get3A_147 = arith.constant 0 : index
    %get3A_148 = arith.constant 2 : index
    %get3A_149 = arith.constant 0 : index
    %get3A_150 = arith.constant 0 : index
    %get3A_151 = vector.load %arg5[%get3A_147, %get3A_148, %get3A_149, %get3A_150] : memref<1x3x128x128xf32, #tpu.memory_space<vmem>>, vector<1x1x128x128xf32>
    %get3A_152 = vector.shape_cast %get3A_151 : vector<1x1x128x128xf32> to vector<128x128xf32>
    %mul3A_153 = arith.mulf %sub3A_18, %add3A_146 : vector<128x128xf32>
    %mul3A_154 = arith.mulf %add3A_24, %get3A_152 : vector<128x128xf32>
    %add3A_155 = arith.addf %mul3A_153, %mul3A_154 : vector<128x128xf32>
    %mul3A_156 = arith.mulf %add3A_146, %add3A_146 : vector<128x128xf32>
    %mul3A_157 = arith.mulf %mul3A_156, %get3A_34 : vector<128x128xf32>
    %mul3A_158 = arith.mulf %get3A_152, %get3A_152 : vector<128x128xf32>
    %mul3A_159 = arith.mulf %mul3A_158, %get3A_39 : vector<128x128xf32>
    %add3A_160 = arith.addf %mul3A_157, %mul3A_159 : vector<128x128xf32>
    %mul3A_161 = arith.mulf %exp3A, %add3A_160 : vector<128x128xf32>
    %add3A_162 = arith.addf %add3A_155, %mul3A_161 : vector<128x128xf32>
    %mul3A_163 = arith.constant 5.000000e-01 : f32
    %mul3A_164 = vector.broadcast %mul3A_163 : f32 to vector<128x128xf32>
    %mul3A_165 = arith.mulf %mul3A_164, %add3A_162 : vector<128x128xf32>
    %tanh3A_166 = math.tanh %mul3A_165 : vector<128x128xf32>
    %mul3A_167 = arith.constant 5.000000e-01 : f32
    %mul3A_168 = vector.broadcast %mul3A_167 : f32 to vector<128x128xf32>
    %mul3A_169 = arith.mulf %mul3A_168, %tanh3A_166 : vector<128x128xf32>
    %add3A_170 = arith.constant 5.000000e-01 : f32
    %add3A_171 = vector.broadcast %add3A_170 : f32 to vector<128x128xf32>
    %add3A_172 = arith.addf %add3A_171, %mul3A_169 : vector<128x128xf32>
    %swap3A_173 = arith.constant 0 : index
    %swap3A_174 = arith.constant 2 : index
    %swap3A_175 = arith.constant 0 : index
    %swap3A_176 = arith.constant 0 : index
    %swap3A_177 = vector.load %arg17[%swap3A_173, %swap3A_174, %swap3A_175, %swap3A_176] : memref<8x3x128x128xf32, #tpu.memory_space<vmem>>, vector<1x1x128x128xf32>
    %swap3A_178 = vector.shape_cast %swap3A_177 : vector<1x1x128x128xf32> to vector<128x128xf32>
    %swap3A_179 = vector.shape_cast %add3A_172 : vector<128x128xf32> to vector<1x1x128x128xf32>
    tpu.vector_store %arg17[%swap3A_173, %swap3A_174, %swap3A_175, %swap3A_176], %swap3A_179 {strides = array<i32>} : memref<8x3x128x128xf32, #tpu.memory_space<vmem>>, vector<1x1x128x128xf32>,
    %mul3A_180 = arith.constant 8 : i32
    %mul3A_181 = arith.muli %arg0, %mul3A_180 : i32
    %add3A_182 = arith.constant 1 : i32
    %add3A_183 = arith.addi %mul3A_181, %add3A_182 : i32
    %get3A_184 = arith.index_cast %add3A_183 : i32 to index
    %get3A_185 = memref.load %arg1[%get3A_184] : memref<64xi32, #tpu.memory_space<smem>>
    %get3A_186 = arith.constant 0 : index
    %get3A_187 = arith.index_cast %get3A_185 : i32 to index
    %get3A_188 = memref.load %arg4[%get3A_186, %get3A_187] : memref<1x512xf32, #tpu.memory_space<smem>>
    %get3A_189 = arith.constant 1 : index
    %get3A_190 = arith.constant 0 : index
    %get3A_191 = arith.constant 0 : index
    %get3A_192 = vector.load %arg2[%get3A_189, %get3A_190, %get3A_191] : memref<8x128x128xf32, #tpu.memory_space<vmem>>, vector<1x128x128xf32>
    %get3A_193 = vector.shape_cast %get3A_192 : vector<1x128x128xf32> to vector<128x128xf32>
    %mul3A_194 = arith.constant 5.000000e-01 : f32
    %mul3A_195 = vector.broadcast %mul3A_194 : f32 to vector<128x128xf32>
    %mul3A_196 = arith.mulf %mul3A_195, %get3A_193 : vector<128x128xf32>
    %tanh3A_197 = math.tanh %mul3A_196 : vector<128x128xf32>
    %mul3A_198 = arith.constant 5.000000e-01 : f32
    %mul3A_199 = vector.broadcast %mul3A_198 : f32 to vector<128x128xf32>
    %mul3A_200 = arith.mulf %mul3A_199, %tanh3A_197 : vector<128x128xf32>
    %sub3A_201 = arith.constant 5.000000e-01 : f32
    %sub3A_202 = vector.broadcast %sub3A_201 : f32 to vector<128x128xf32>
    %sub3A_203 = arith.subf %sub3A_202, %mul3A_200 : vector<128x128xf32>
    %mul3A_204 = arith.constant 5.000000e-01 : f32
    %mul3A_205 = vector.broadcast %mul3A_204 : f32 to vector<128x128xf32>
    %mul3A_206 = arith.mulf %mul3A_205, %tanh3A_197 : vector<128x128xf32>
    %add3A_207 = arith.constant 5.000000e-01 : f32
    %add3A_208 = vector.broadcast %add3A_207 : f32 to vector<128x128xf32>
    %add3A_209 = arith.addf %add3A_208, %mul3A_206 : vector<128x128xf32>
    %get3A_210 = arith.constant 1 : index
    %get3A_211 = arith.constant 0 : index
    %get3A_212 = arith.constant 0 : index
    %get3A_213 = vector.load %arg3[%get3A_210, %get3A_211, %get3A_212] : memref<8x128x128xf32, #tpu.memory_space<vmem>>, vector<1x128x128xf32>
    %get3A_214 = vector.shape_cast %get3A_213 : vector<1x128x128xf32> to vector<128x128xf32>
    %exp3A_215 = math.exp %get3A_214 : vector<128x128xf32>
    %get3A_216 = arith.constant 1 : index
    %get3A_217 = arith.constant 0 : index
    %get3A_218 = arith.constant 0 : index
    %get3A_219 = vector.load %arg15[%get3A_216, %get3A_217, %get3A_218] : memref<8x128x128xf32, #tpu.memory_space<vmem>>, vector<1x128x128xf32>
    %get3A_220 = vector.shape_cast %get3A_219 : vector<1x128x128xf32> to vector<128x128xf32>
    %get3A_221 = arith.constant 1 : index
    %get3A_222 = arith.constant 0 : index
    %get3A_223 = arith.constant 0 : index
    %get3A_224 = vector.load %arg16[%get3A_221, %get3A_222, %get3A_223] : memref<8x128x128xf32, #tpu.memory_space<vmem>>, vector<1x128x128xf32>
    %get3A_225 = vector.shape_cast %get3A_224 : vector<1x128x128xf32> to vector<128x128xf32>
    %get3A_226 = arith.constant 0 : index
    %get3A_227 = arith.constant 0 : index
    %get3A_228 = arith.constant 0 : index
    %get3A_229 = vector.load %arg13[%get3A_226, %get3A_227, %get3A_228] : memref<3x128x128xf32, #tpu.memory_space<vmem>>, vector<1x128x128xf32>
    %get3A_230 = vector.shape_cast %get3A_229 : vector<1x128x128xf32> to vector<128x128xf32>
    %get3A_231 = arith.constant 0 : index
    %get3A_232 = arith.constant 0 : index
    %get3A_233 = arith.constant 0 : index
    %get3A_234 = arith.constant 0 : index
    %get3A_235 = vector.load %arg14[%get3A_231, %get3A_232, %get3A_233, %get3A_234] : memref<1x3x128x128xf32, #tpu.memory_space<vmem>>, vector<1x1x128x128xf32>
    %get3A_236 = vector.shape_cast %get3A_235 : vector<1x1x128x128xf32> to vector<128x128xf32>
    %mul3A_237 = vector.broadcast %get3A_188 : f32 to vector<128x128xf32>
    %mul3A_238 = arith.mulf %mul3A_237, %get3A_236 : vector<128x128xf32>
    %add3A_239 = arith.addf %get3A_230, %mul3A_238 : vector<128x128xf32>
    %get3A_240 = arith.constant 0 : index
    %get3A_241 = arith.constant 0 : index
    %get3A_242 = arith.constant 0 : index
    %get3A_243 = arith.constant 0 : index
    %get3A_244 = vector.load %arg6[%get3A_240, %get3A_241, %get3A_242, %get3A_243] : memref<1x3x128x128xf32, #tpu.memory_space<vmem>>, vector<1x1x128x128xf32>
    %get3A_245 = vector.shape_cast %get3A_244 : vector<1x1x128x128xf32> to vector<128x128xf32>
    %mul3A_246 = arith.mulf %sub3A_203, %add3A_239 : vector<128x128xf32>
    %mul3A_247 = arith.mulf %add3A_209, %get3A_245 : vector<128x128xf32>
    %add3A_248 = arith.addf %mul3A_246, %mul3A_247 : vector<128x128xf32>
    %mul3A_249 = arith.mulf %add3A_239, %add3A_239 : vector<128x128xf32>
    %mul3A_250 = arith.mulf %mul3A_249, %get3A_220 : vector<128x128xf32>
    %mul3A_251 = arith.mulf %get3A_245, %get3A_245 : vector<128x128xf32>
    %mul3A_252 = arith.mulf %mul3A_251, %get3A_225 : vector<128x128xf32>
    %add3A_253 = arith.addf %mul3A_250, %mul3A_252 : vector<128x128xf32>
    %mul3A_254 = arith.mulf %exp3A_215, %add3A_253 : vector<128x128xf32>
    %add3A_255 = arith.addf %add3A_248, %mul3A_254 : vector<128x128xf32>
    %mul3A_256 = arith.constant 5.000000e-01 : f32
    %mul3A_257 = vector.broadcast %mul3A_256 : f32 to vector<128x128xf32>
    %mul3A_258 = arith.mulf %mul3A_257, %add3A_255 : vector<128x128xf32>
    %tanh3A_259 = math.tanh %mul3A_258 : vector<128x128xf32>
    %mul3A_260 = arith.constant 5.000000e-01 : f32
    %mul3A_261 = vector.broadcast %mul3A_260 : f32 to vector<128x128xf32>
    %mul3A_262 = arith.mulf %mul3A_261, %tanh3A_259 : vector<128x128xf32>
    %add3A_263 = arith.constant 5.000000e-01 : f32
    %add3A_264 = vector.broadcast %add3A_263 : f32 to vector<128x128xf32>
    %add3A_265 = arith.addf %add3A_264, %mul3A_262 : vector<128x128xf32>
    %swap3A_266 = arith.constant 1 : index
    %swap3A_267 = arith.constant 0 : index
    %swap3A_268 = arith.constant 0 : index
    %swap3A_269 = arith.constant 0 : index
    %swap3A_270 = vector.load %arg17[%swap3A_266, %swap3A_267, %swap3A_268, %swap3A_269] : memref<8x3x128x128xf32, #tpu.memory_space<vmem>>, vector<1x1x128x128xf32>
    %swap3A_271 = vector.shape_cast %swap3A_270 : vector<1x1x128x128xf32> to vector<128x128xf32>
    %swap3A_272 = vector.shape_cast %add3A_265 : vector<128x128xf32> to vector<1x1x128x128xf32>
    tpu.vector_store %arg17[%swap3A_266, %swap3A_267, %swap3A_268, %swap3A_269], %swap3A_272 {strides = array<i32>} : memref<8x3x128x128xf32, #tpu.memory_space<vmem>>, vector<1x1x128x128xf32>,
    %get3A_273 = arith.constant 1 : index
    %get3A_274 = arith.constant 0 : index
    %get3A_275 = arith.constant 0 : index
    %get3A_276 = vector.load %arg13[%get3A_273, %get3A_274, %get3A_275] : memref<3x128x128xf32, #tpu.memory_space<vmem>>, vector<1x128x128xf32>
    %get3A_277 = vector.shape_cast %get3A_276 : vector<1x128x128xf32> to vector<128x128xf32>
    %get3A_278 = arith.constant 0 : index
    %get3A_279 = arith.constant 1 : index
    %get3A_280 = arith.constant 0 : index
    %get3A_281 = arith.constant 0 : index
    %get3A_282 = vector.load %arg14[%get3A_278, %get3A_279, %get3A_280, %get3A_281] : memref<1x3x128x128xf32, #tpu.memory_space<vmem>>, vector<1x1x128x128xf32>
    %get3A_283 = vector.shape_cast %get3A_282 : vector<1x1x128x128xf32> to vector<128x128xf32>
    %mul3A_284 = vector.broadcast %get3A_188 : f32 to vector<128x128xf32>
    %mul3A_285 = arith.mulf %mul3A_284, %get3A_283 : vector<128x128xf32>
    %add3A_286 = arith.addf %get3A_277, %mul3A_285 : vector<128x128xf32>
    %get3A_287 = arith.constant 0 : index
    %get3A_288 = arith.constant 1 : index
    %get3A_289 = arith.constant 0 : index
    %get3A_290 = arith.constant 0 : index
    %get3A_291 = vector.load %arg6[%get3A_287, %get3A_288, %get3A_289, %get3A_290] : memref<1x3x128x128xf32, #tpu.memory_space<vmem>>, vector<1x1x128x128xf32>
    %get3A_292 = vector.shape_cast %get3A_291 : vector<1x1x128x128xf32> to vector<128x128xf32>
    %mul3A_293 = arith.mulf %sub3A_203, %add3A_286 : vector<128x128xf32>
    %mul3A_294 = arith.mulf %add3A_209, %get3A_292 : vector<128x128xf32>
    %add3A_295 = arith.addf %mul3A_293, %mul3A_294 : vector<128x128xf32>
    %mul3A_296 = arith.mulf %add3A_286, %add3A_286 : vector<128x128xf32>
    %mul3A_297 = arith.mulf %mul3A_296, %get3A_220 : vector<128x128xf32>
    %mul3A_298 = arith.mulf %get3A_292, %get3A_292 : vector<128x128xf32>
    %mul3A_299 = arith.mulf %mul3A_298, %get3A_225 : vector<128x128xf32>
    %add3A_300 = arith.addf %mul3A_297, %mul3A_299 : vector<128x128xf32>
    %mul3A_301 = arith.mulf %exp3A_215, %add3A_300 : vector<128x128xf32>
    %add3A_302 = arith.addf %add3A_295, %mul3A_301 : vector<128x128xf32>
    %mul3A_303 = arith.constant 5.000000e-01 : f32
    %mul3A_304 = vector.broadcast %mul3A_303 : f32 to vector<128x128xf32>
    %mul3A_305 = arith.mulf %mul3A_304, %add3A_302 : vector<128x128xf32>
    %tanh3A_306 = math.tanh %mul3A_305 : vector<128x128xf32>
    %mul3A_307 = arith.constant 5.000000e-01 : f32
    %mul3A_308 = vector.broadcast %mul3A_307 : f32 to vector<128x128xf32>
    %mul3A_309 = arith.mulf %mul3A_308, %tanh3A_306 : vector<128x128xf32>
    %add3A_310 = arith.constant 5.000000e-01 : f32
    %add3A_311 = vector.broadcast %add3A_310 : f32 to vector<128x128xf32>
    %add3A_312 = arith.addf %add3A_311, %mul3A_309 : vector<128x128xf32>
    %swap3A_313 = arith.constant 1 : index
    %swap3A_314 = arith.constant 1 : index
    %swap3A_315 = arith.constant 0 : index
    %swap3A_316 = arith.constant 0 : index
    %swap3A_317 = vector.load %arg17[%swap3A_313, %swap3A_314, %swap3A_315, %swap3A_316] : memref<8x3x128x128xf32, #tpu.memory_space<vmem>>, vector<1x1x128x128xf32>
    %swap3A_318 = vector.shape_cast %swap3A_317 : vector<1x1x128x128xf32> to vector<128x128xf32>
    %swap3A_319 = vector.shape_cast %add3A_312 : vector<128x128xf32> to vector<1x1x128x128xf32>
    tpu.vector_store %arg17[%swap3A_313, %swap3A_314, %swap3A_315, %swap3A_316], %swap3A_319 {strides = array<i32>} : memref<8x3x128x128xf32, #tpu.memory_space<vmem>>, vector<1x1x128x128xf32>,
    %get3A_320 = arith.constant 2 : index
    %get3A_321 = arith.constant 0 : index
    %get3A_322 = arith.constant 0 : index
    %get3A_323 = vector.load %arg13[%get3A_320, %get3A_321, %get3A_322] : memref<3x128x128xf32, #tpu.memory_space<vmem>>, vector<1x128x128xf32>
    %get3A_324 = vector.shape_cast %get3A_323 : vector<1x128x128xf32> to vector<128x128xf32>
    %get3A_325 = arith.constant 0 : index
    %get3A_326 = arith.constant 2 : index
    %get3A_327 = arith.constant 0 : index
    %get3A_328 = arith.constant 0 : index
    %get3A_329 = vector.load %arg14[%get3A_325, %get3A_326, %get3A_327, %get3A_328] : memref<1x3x128x128xf32, #tpu.memory_space<vmem>>, vector<1x1x128x128xf32>
    %get3A_330 = vector.shape_cast %get3A_329 : vector<1x1x128x128xf32> to vector<128x128xf32>
    %mul3A_331 = vector.broadcast %get3A_188 : f32 to vector<128x128xf32>
    %mul3A_332 = arith.mulf %mul3A_331, %get3A_330 : vector<128x128xf32>
    %add3A_333 = arith.addf %get3A_324, %mul3A_332 : vector<128x128xf32>
    %get3A_334 = arith.constant 0 : index
    %get3A_335 = arith.constant 2 : index
    %get3A_336 = arith.constant 0 : index
    %get3A_337 = arith.constant 0 : index
    %get3A_338 = vector.load %arg6[%get3A_334, %get3A_335, %get3A_336, %get3A_337] : memref<1x3x128x128xf32, #tpu.memory_space<vmem>>, vector<1x1x128x128xf32>
    %get3A_339 = vector.shape_cast %get3A_338 : vector<1x1x128x128xf32> to vector<128x128xf32>
    %mul3A_340 = arith.mulf %sub3A_203, %add3A_333 : vector<128x128xf32>
    %mul3A_341 = arith.mulf %add3A_209, %get3A_339 : vector<128x128xf32>
    %add3A_342 = arith.addf %mul3A_340, %mul3A_341 : vector<128x128xf32>
    %mul3A_343 = arith.mulf %add3A_333, %add3A_333 : vector<128x128xf32>
    %mul3A_344 = arith.mulf %mul3A_343, %get3A_220 : vector<128x128xf32>
    %mul3A_345 = arith.mulf %get3A_339, %get3A_339 : vector<128x128xf32>
    %mul3A_346 = arith.mulf %mul3A_345, %get3A_225 : vector<128x128xf32>
    %add3A_347 = arith.addf %mul3A_344, %mul3A_346 : vector<128x128xf32>
    %mul3A_348 = arith.mulf %exp3A_215, %add3A_347 : vector<128x128xf32>
    %add3A_349 = arith.addf %add3A_342, %mul3A_348 : vector<128x128xf32>
    %mul3A_350 = arith.constant 5.000000e-01 : f32
    %mul3A_351 = vector.broadcast %mul3A_350 : f32 to vector<128x128xf32>
    %mul3A_352 = arith.mulf %mul3A_351, %add3A_349 : vector<128x128xf32>
    %tanh3A_353 = math.tanh %mul3A_352 : vector<128x128xf32>
    %mul3A_354 = arith.constant 5.000000e-01 : f32
    %mul3A_355 = vector.broadcast %mul3A_354 : f32 to vector<128x128xf32>
    %mul3A_356 = arith.mulf %mul3A_355, %tanh3A_353 : vector<128x128xf32>
    %add3A_357 = arith.constant 5.000000e-01 : f32
    %add3A_358 = vector.broadcast %add3A_357 : f32 to vector<128x128xf32>
    %add3A_359 = arith.addf %add3A_358, %mul3A_356 : vector<128x128xf32>
    %swap3A_360 = arith.constant 1 : index
    %swap3A_361 = arith.constant 2 : index
    %swap3A_362 = arith.constant 0 : index
    %swap3A_363 = arith.constant 0 : index
    %swap3A_364 = vector.load %arg17[%swap3A_360, %swap3A_361, %swap3A_362, %swap3A_363] : memref<8x3x128x128xf32, #tpu.memory_space<vmem>>, vector<1x1x128x128xf32>
    %swap3A_365 = vector.shape_cast %swap3A_364 : vector<1x1x128x128xf32> to vector<128x128xf32>
    %swap3A_366 = vector.shape_cast %add3A_359 : vector<128x128xf32> to vector<1x1x128x128xf32>
    tpu.vector_store %arg17[%swap3A_360, %swap3A_361, %swap3A_362, %swap3A_363], %swap3A_366 {strides = array<i32>} : memref<8x3x128x128xf32, #tpu.memory_space<vmem>>, vector<1x1x128x128xf32>,
    %mul3A_367 = arith.constant 8 : i32
    %mul3A_368 = arith.muli %arg0, %mul3A_367 : i32
    %add3A_369 = arith.constant 2 : i32
    %add3A_370 = arith.addi %mul3A_368, %add3A_369 : i32
    %get3A_371 = arith.index_cast %add3A_370 : i32 to index
    %get3A_372 = memref.load %arg1[%get3A_371] : memref<64xi32, #tpu.memory_space<smem>>
    %get3A_373 = arith.constant 0 : index
    %get3A_374 = arith.index_cast %get3A_372 : i32 to index
    %get3A_375 = memref.load %arg4[%get3A_373, %get3A_374] : memref<1x512xf32, #tpu.memory_space<smem>>
    %get3A_376 = arith.constant 2 : index
    %get3A_377 = arith.constant 0 : index
    %get3A_378 = arith.constant 0 : index
    %get3A_379 = vector.load %arg2[%get3A_376, %get3A_377, %get3A_378] : memref<8x128x128xf32, #tpu.memory_space<vmem>>, vector<1x128x128xf32>
    %get3A_380 = vector.shape_cast %get3A_379 : vector<1x128x128xf32> to vector<128x128xf32>
    %mul3A_381 = arith.constant 5.000000e-01 : f32
    %mul3A_382 = vector.broadcast %mul3A_381 : f32 to vector<128x128xf32>
    %mul3A_383 = arith.mulf %mul3A_382, %get3A_380 : vector<128x128xf32>
    %tanh3A_384 = math.tanh %mul3A_383 : vector<128x128xf32>
    %mul3A_385 = arith.constant 5.000000e-01 : f32
    %mul3A_386 = vector.broadcast %mul3A_385 : f32 to vector<128x128xf32>
    %mul3A_387 = arith.mulf %mul3A_386, %tanh3A_384 : vector<128x128xf32>
    %sub3A_388 = arith.constant 5.000000e-01 : f32
    %sub3A_389 = vector.broadcast %sub3A_388 : f32 to vector<128x128xf32>
    %sub3A_390 = arith.subf %sub3A_389, %mul3A_387 : vector<128x128xf32>
    %mul3A_391 = arith.constant 5.000000e-01 : f32
    %mul3A_392 = vector.broadcast %mul3A_391 : f32 to vector<128x128xf32>
    %mul3A_393 = arith.mulf %mul3A_392, %tanh3A_384 : vector<128x128xf32>
    %add3A_394 = arith.constant 5.000000e-01 : f32
    %add3A_395 = vector.broadcast %add3A_394 : f32 to vector<128x128xf32>
    %add3A_396 = arith.addf %add3A_395, %mul3A_393 : vector<128x128xf32>
    %get3A_397 = arith.constant 2 : index
    %get3A_398 = arith.constant 0 : index
    %get3A_399 = arith.constant 0 : index
    %get3A_400 = vector.load %arg3[%get3A_397, %get3A_398, %get3A_399] : memref<8x128x128xf32, #tpu.memory_space<vmem>>, vector<1x128x128xf32>
    %get3A_401 = vector.shape_cast %get3A_400 : vector<1x128x128xf32> to vector<128x128xf32>
    %exp3A_402 = math.exp %get3A_401 : vector<128x128xf32>
    %get3A_403 = arith.constant 2 : index
    %get3A_404 = arith.constant 0 : index
    %get3A_405 = arith.constant 0 : index
    %get3A_406 = vector.load %arg15[%get3A_403, %get3A_404, %get3A_405] : memref<8x128x128xf32, #tpu.memory_space<vmem>>, vector<1x128x128xf32>
    %get3A_407 = vector.shape_cast %get3A_406 : vector<1x128x128xf32> to vector<128x128xf32>
    %get3A_408 = arith.constant 2 : index
    %get3A_409 = arith.constant 0 : index
    %get3A_410 = arith.constant 0 : index
    %get3A_411 = vector.load %arg16[%get3A_408, %get3A_409, %get3A_410] : memref<8x128x128xf32, #tpu.memory_space<vmem>>, vector<1x128x128xf32>
    %get3A_412 = vector.shape_cast %get3A_411 : vector<1x128x128xf32> to vector<128x128xf32>
    %get3A_413 = arith.constant 0 : index
    %get3A_414 = arith.constant 0 : index
    %get3A_415 = arith.constant 0 : index
    %get3A_416 = vector.load %arg13[%get3A_413, %get3A_414, %get3A_415] : memref<3x128x128xf32, #tpu.memory_space<vmem>>, vector<1x128x128xf32>
    %get3A_417 = vector.shape_cast %get3A_416 : vector<1x128x128xf32> to vector<128x128xf32>
    %get3A_418 = arith.constant 0 : index
    %get3A_419 = arith.constant 0 : index
    %get3A_420 = arith.constant 0 : index
    %get3A_421 = arith.constant 0 : index
    %get3A_422 = vector.load %arg14[%get3A_418, %get3A_419, %get3A_420, %get3A_421] : memref<1x3x128x128xf32, #tpu.memory_space<vmem>>, vector<1x1x128x128xf32>
    %get3A_423 = vector.shape_cast %get3A_422 : vector<1x1x128x128xf32> to vector<128x128xf32>
    %mul3A_424 = vector.broadcast %get3A_375 : f32 to vector<128x128xf32>
    %mul3A_425 = arith.mulf %mul3A_424, %get3A_423 : vector<128x128xf32>
    %add3A_426 = arith.addf %get3A_417, %mul3A_425 : vector<128x128xf32>
    %get3A_427 = arith.constant 0 : index
    %get3A_428 = arith.constant 0 : index
    %get3A_429 = arith.constant 0 : index
    %get3A_430 = arith.constant 0 : index
    %get3A_431 = vector.load %arg7[%get3A_427, %get3A_428, %get3A_429, %get3A_430] : memref<1x3x128x128xf32, #tpu.memory_space<vmem>>, vector<1x1x128x128xf32>
    %get3A_432 = vector.shape_cast %get3A_431 : vector<1x1x128x128xf32> to vector<128x128xf32>
    %mul3A_433 = arith.mulf %sub3A_390, %add3A_426 : vector<128x128xf32>
    %mul3A_434 = arith.mulf %add3A_396, %get3A_432 : vector<128x128xf32>
    %add3A_435 = arith.addf %mul3A_433, %mul3A_434 : vector<128x128xf32>
    %mul3A_436 = arith.mulf %add3A_426, %add3A_426 : vector<128x128xf32>
    %mul3A_437 = arith.mulf %mul3A_436, %get3A_407 : vector<128x128xf32>
    %mul3A_438 = arith.mulf %get3A_432, %get3A_432 : vector<128x128xf32>
    %mul3A_439 = arith.mulf %mul3A_438, %get3A_412 : vector<128x128xf32>
    %add3A_440 = arith.addf %mul3A_437, %mul3A_439 : vector<128x128xf32>
    %mul3A_441 = arith.mulf %exp3A_402, %add3A_440 : vector<128x128xf32>
    %add3A_442 = arith.addf %add3A_435, %mul3A_441 : vector<128x128xf32>
    %mul3A_443 = arith.constant 5.000000e-01 : f32
    %mul3A_444 = vector.broadcast %mul3A_443 : f32 to vector<128x128xf32>
    %mul3A_445 = arith.mulf %mul3A_444, %add3A_442 : vector<128x128xf32>
    %tanh3A_446 = math.tanh %mul3A_445 : vector<128x128xf32>
    %mul3A_447 = arith.constant 5.000000e-01 : f32
    %mul3A_448 = vector.broadcast %mul3A_447 : f32 to vector<128x128xf32>
    %mul3A_449 = arith.mulf %mul3A_448, %tanh3A_446 : vector<128x128xf32>
    %add3A_450 = arith.constant 5.000000e-01 : f32
    %add3A_451 = vector.broadcast %add3A_450 : f32 to vector<128x128xf32>
    %add3A_452 = arith.addf %add3A_451, %mul3A_449 : vector<128x128xf32>
    %swap3A_453 = arith.constant 2 : index
    %swap3A_454 = arith.constant 0 : index
    %swap3A_455 = arith.constant 0 : index
    %swap3A_456 = arith.constant 0 : index
    %swap3A_457 = vector.load %arg17[%swap3A_453, %swap3A_454, %swap3A_455, %swap3A_456] : memref<8x3x128x128xf32, #tpu.memory_space<vmem>>, vector<1x1x128x128xf32>
    %swap3A_458 = vector.shape_cast %swap3A_457 : vector<1x1x128x128xf32> to vector<128x128xf32>
    %swap3A_459 = vector.shape_cast %add3A_452 : vector<128x128xf32> to vector<1x1x128x128xf32>
    tpu.vector_store %arg17[%swap3A_453, %swap3A_454, %swap3A_455, %swap3A_456], %swap3A_459 {strides = array<i32>} : memref<8x3x128x128xf32, #tpu.memory_space<vmem>>, vector<1x1x128x128xf32>,
    %get3A_460 = arith.constant 1 : index
    %get3A_461 = arith.constant 0 : index
    %get3A_462 = arith.constant 0 : index
    %get3A_463 = vector.load %arg13[%get3A_460, %get3A_461, %get3A_462] : memref<3x128x128xf32, #tpu.memory_space<vmem>>, vector<1x128x128xf32>
    %get3A_464 = vector.shape_cast %get3A_463 : vector<1x128x128xf32> to vector<128x128xf32>
    %get3A_465 = arith.constant 0 : index
    %get3A_466 = arith.constant 1 : index
    %get3A_467 = arith.constant 0 : index
    %get3A_468 = arith.constant 0 : index
    %get3A_469 = vector.load %arg14[%get3A_465, %get3A_466, %get3A_467, %get3A_468] : memref<1x3x128x128xf32, #tpu.memory_space<vmem>>, vector<1x1x128x128xf32>
    %get3A_470 = vector.shape_cast %get3A_469 : vector<1x1x128x128xf32> to vector<128x128xf32>
    %mul3A_471 = vector.broadcast %get3A_375 : f32 to vector<128x128xf32>
    %mul3A_472 = arith.mulf %mul3A_471, %get3A_470 : vector<128x128xf32>
    %add3A_473 = arith.addf %get3A_464, %mul3A_472 : vector<128x128xf32>
    %get3A_474 = arith.constant 0 : index
    %get3A_475 = arith.constant 1 : index
    %get3A_476 = arith.constant 0 : index
    %get3A_477 = arith.constant 0 : index
    %get3A_478 = vector.load %arg7[%get3A_474, %get3A_475, %get3A_476, %get3A_477] : memref<1x3x128x128xf32, #tpu.memory_space<vmem>>, vector<1x1x128x128xf32>
    %get3A_479 = vector.shape_cast %get3A_478 : vector<1x1x128x128xf32> to vector<128x128xf32>
    %mul3A_480 = arith.mulf %sub3A_390, %add3A_473 : vector<128x128xf32>
    %mul3A_481 = arith.mulf %add3A_396, %get3A_479 : vector<128x128xf32>
    %add3A_482 = arith.addf %mul3A_480, %mul3A_481 : vector<128x128xf32>
    %mul3A_483 = arith.mulf %add3A_473, %add3A_473 : vector<128x128xf32>
    %mul3A_484 = arith.mulf %mul3A_483, %get3A_407 : vector<128x128xf32>
    %mul3A_485 = arith.mulf %get3A_479, %get3A_479 : vector<128x128xf32>
    %mul3A_486 = arith.mulf %mul3A_485, %get3A_412 : vector<128x128xf32>
    %add3A_487 = arith.addf %mul3A_484, %mul3A_486 : vector<128x128xf32>
    %mul3A_488 = arith.mulf %exp3A_402, %add3A_487 : vector<128x128xf32>
    %add3A_489 = arith.addf %add3A_482, %mul3A_488 : vector<128x128xf32>
    %mul3A_490 = arith.constant 5.000000e-01 : f32
    %mul3A_491 = vector.broadcast %mul3A_490 : f32 to vector<128x128xf32>
    %mul3A_492 = arith.mulf %mul3A_491, %add3A_489 : vector<128x128xf32>
    %tanh3A_493 = math.tanh %mul3A_492 : vector<128x128xf32>
    %mul3A_494 = arith.constant 5.000000e-01 : f32
    %mul3A_495 = vector.broadcast %mul3A_494 : f32 to vector<128x128xf32>
    %mul3A_496 = arith.mulf %mul3A_495, %tanh3A_493 : vector<128x128xf32>
    %add3A_497 = arith.constant 5.000000e-01 : f32
    %add3A_498 = vector.broadcast %add3A_497 : f32 to vector<128x128xf32>
    %add3A_499 = arith.addf %add3A_498, %mul3A_496 : vector<128x128xf32>
    %swap3A_500 = arith.constant 2 : index
    %swap3A_501 = arith.constant 1 : index
    %swap3A_502 = arith.constant 0 : index
    %swap3A_503 = arith.constant 0 : index
    %swap3A_504 = vector.load %arg17[%swap3A_500, %swap3A_501, %swap3A_502, %swap3A_503] : memref<8x3x128x128xf32, #tpu.memory_space<vmem>>, vector<1x1x128x128xf32>
    %swap3A_505 = vector.shape_cast %swap3A_504 : vector<1x1x128x128xf32> to vector<128x128xf32>
    %swap3A_506 = vector.shape_cast %add3A_499 : vector<128x128xf32> to vector<1x1x128x128xf32>
    tpu.vector_store %arg17[%swap3A_500, %swap3A_501, %swap3A_502, %swap3A_503], %swap3A_506 {strides = array<i32>} : memref<8x3x128x128xf32, #tpu.memory_space<vmem>>, vector<1x1x128x128xf32>,
    %get3A_507 = arith.constant 2 : index
    %get3A_508 = arith.constant 0 : index
    %get3A_509 = arith.constant 0 : index
    %get3A_510 = vector.load %arg13[%get3A_507, %get3A_508, %get3A_509] : memref<3x128x128xf32, #tpu.memory_space<vmem>>, vector<1x128x128xf32>
    %get3A_511 = vector.shape_cast %get3A_510 : vector<1x128x128xf32> to vector<128x128xf32>
    %get3A_512 = arith.constant 0 : index
    %get3A_513 = arith.constant 2 : index
    %get3A_514 = arith.constant 0 : index
    %get3A_515 = arith.constant 0 : index
    %get3A_516 = vector.load %arg14[%get3A_512, %get3A_513, %get3A_514, %get3A_515] : memref<1x3x128x128xf32, #tpu.memory_space<vmem>>, vector<1x1x128x128xf32>
    %get3A_517 = vector.shape_cast %get3A_516 : vector<1x1x128x128xf32> to vector<128x128xf32>
    %mul3A_518 = vector.broadcast %get3A_375 : f32 to vector<128x128xf32>
    %mul3A_519 = arith.mulf %mul3A_518, %get3A_517 : vector<128x128xf32>
    %add3A_520 = arith.addf %get3A_511, %mul3A_519 : vector<128x128xf32>
    %get3A_521 = arith.constant 0 : index
    %get3A_522 = arith.constant 2 : index
    %get3A_523 = arith.constant 0 : index
    %get3A_524 = arith.constant 0 : index
    %get3A_525 = vector.load %arg7[%get3A_521, %get3A_522, %get3A_523, %get3A_524] : memref<1x3x128x128xf32, #tpu.memory_space<vmem>>, vector<1x1x128x128xf32>
    %get3A_526 = vector.shape_cast %get3A_525 : vector<1x1x128x128xf32> to vector<128x128xf32>
    %mul3A_527 = arith.mulf %sub3A_390, %add3A_520 : vector<128x128xf32>
    %mul3A_528 = arith.mulf %add3A_396, %get3A_526 : vector<128x128xf32>
    %add3A_529 = arith.addf %mul3A_527, %mul3A_528 : vector<128x128xf32>
    %mul3A_530 = arith.mulf %add3A_520, %add3A_520 : vector<128x128xf32>
    %mul3A_531 = arith.mulf %mul3A_530, %get3A_407 : vector<128x128xf32>
    %mul3A_532 = arith.mulf %get3A_526, %get3A_526 : vector<128x128xf32>
    %mul3A_533 = arith.mulf %mul3A_532, %get3A_412 : vector<128x128xf32>
    %add3A_534 = arith.addf %mul3A_531, %mul3A_533 : vector<128x128xf32>
    %mul3A_535 = arith.mulf %exp3A_402, %add3A_534 : vector<128x128xf32>
    %add3A_536 = arith.addf %add3A_529, %mul3A_535 : vector<128x128xf32>
    %mul3A_537 = arith.constant 5.000000e-01 : f32
    %mul3A_538 = vector.broadcast %mul3A_537 : f32 to vector<128x128xf32>
    %mul3A_539 = arith.mulf %mul3A_538, %add3A_536 : vector<128x128xf32>
    %tanh3A_540 = math.tanh %mul3A_539 : vector<128x128xf32>
    %mul3A_541 = arith.constant 5.000000e-01 : f32
    %mul3A_542 = vector.broadcast %mul3A_541 : f32 to vector<128x128xf32>
    %mul3A_543 = arith.mulf %mul3A_542, %tanh3A_540 : vector<128x128xf32>
    %add3A_544 = arith.constant 5.000000e-01 : f32
    %add3A_545 = vector.broadcast %add3A_544 : f32 to vector<128x128xf32>
    %add3A_546 = arith.addf %add3A_545, %mul3A_543 : vector<128x128xf32>
    %swap3A_547 = arith.constant 2 : index
    %swap3A_548 = arith.constant 2 : index
    %swap3A_549 = arith.constant 0 : index
    %swap3A_550 = arith.constant 0 : index
    %swap3A_551 = vector.load %arg17[%swap3A_547, %swap3A_548, %swap3A_549, %swap3A_550] : memref<8x3x128x128xf32, #tpu.memory_space<vmem>>, vector<1x1x128x128xf32>
    %swap3A_552 = vector.shape_cast %swap3A_551 : vector<1x1x128x128xf32> to vector<128x128xf32>
    %swap3A_553 = vector.shape_cast %add3A_546 : vector<128x128xf32> to vector<1x1x128x128xf32>
    tpu.vector_store %arg17[%swap3A_547, %swap3A_548, %swap3A_549, %swap3A_550], %swap3A_553 {strides = array<i32>} : memref<8x3x128x128xf32, #tpu.memory_space<vmem>>, vector<1x1x128x128xf32>,
    %mul3A_554 = arith.constant 8 : i32
    %mul3A_555 = arith.muli %arg0, %mul3A_554 : i32
    %add3A_556 = arith.constant 3 : i32
    %add3A_557 = arith.addi %mul3A_555, %add3A_556 : i32
    %get3A_558 = arith.index_cast %add3A_557 : i32 to index
    %get3A_559 = memref.load %arg1[%get3A_558] : memref<64xi32, #tpu.memory_space<smem>>
    %get3A_560 = arith.constant 0 : index
    %get3A_561 = arith.index_cast %get3A_559 : i32 to index
    %get3A_562 = memref.load %arg4[%get3A_560, %get3A_561] : memref<1x512xf32, #tpu.memory_space<smem>>
    %get3A_563 = arith.constant 3 : index
    %get3A_564 = arith.constant 0 : index
    %get3A_565 = arith.constant 0 : index
    %get3A_566 = vector.load %arg2[%get3A_563, %get3A_564, %get3A_565] : memref<8x128x128xf32, #tpu.memory_space<vmem>>, vector<1x128x128xf32>
    %get3A_567 = vector.shape_cast %get3A_566 : vector<1x128x128xf32> to vector<128x128xf32>
    %mul3A_568 = arith.constant 5.000000e-01 : f32
    %mul3A_569 = vector.broadcast %mul3A_568 : f32 to vector<128x128xf32>
    %mul3A_570 = arith.mulf %mul3A_569, %get3A_567 : vector<128x128xf32>
    %tanh3A_571 = math.tanh %mul3A_570 : vector<128x128xf32>
    %mul3A_572 = arith.constant 5.000000e-01 : f32
    %mul3A_573 = vector.broadcast %mul3A_572 : f32 to vector<128x128xf32>
    %mul3A_574 = arith.mulf %mul3A_573, %tanh3A_571 : vector<128x128xf32>
    %sub3A_575 = arith.constant 5.000000e-01 : f32
    %sub3A_576 = vector.broadcast %sub3A_575 : f32 to vector<128x128xf32>
    %sub3A_577 = arith.subf %sub3A_576, %mul3A_574 : vector<128x128xf32>
    %mul3A_578 = arith.constant 5.000000e-01 : f32
    %mul3A_579 = vector.broadcast %mul3A_578 : f32 to vector<128x128xf32>
    %mul3A_580 = arith.mulf %mul3A_579, %tanh3A_571 : vector<128x128xf32>
    %add3A_581 = arith.constant 5.000000e-01 : f32
    %add3A_582 = vector.broadcast %add3A_581 : f32 to vector<128x128xf32>
    %add3A_583 = arith.addf %add3A_582, %mul3A_580 : vector<128x128xf32>
    %get3A_584 = arith.constant 3 : index
    %get3A_585 = arith.constant 0 : index
    %get3A_586 = arith.constant 0 : index
    %get3A_587 = vector.load %arg3[%get3A_584, %get3A_585, %get3A_586] : memref<8x128x128xf32, #tpu.memory_space<vmem>>, vector<1x128x128xf32>
    %get3A_588 = vector.shape_cast %get3A_587 : vector<1x128x128xf32> to vector<128x128xf32>
    %exp3A_589 = math.exp %get3A_588 : vector<128x128xf32>
    %get3A_590 = arith.constant 3 : index
    %get3A_591 = arith.constant 0 : index
    %get3A_592 = arith.constant 0 : index
    %get3A_593 = vector.load %arg15[%get3A_590, %get3A_591, %get3A_592] : memref<8x128x128xf32, #tpu.memory_space<vmem>>, vector<1x128x128xf32>
    %get3A_594 = vector.shape_cast %get3A_593 : vector<1x128x128xf32> to vector<128x128xf32>
    %get3A_595 = arith.constant 3 : index
    %get3A_596 = arith.constant 0 : index
    %get3A_597 = arith.constant 0 : index
    %get3A_598 = vector.load %arg16[%get3A_595, %get3A_596, %get3A_597] : memref<8x128x128xf32, #tpu.memory_space<vmem>>, vector<1x128x128xf32>
    %get3A_599 = vector.shape_cast %get3A_598 : vector<1x128x128xf32> to vector<128x128xf32>
    %get3A_600 = arith.constant 0 : index
    %get3A_601 = arith.constant 0 : index
    %get3A_602 = arith.constant 0 : index
    %get3A_603 = vector.load %arg13[%get3A_600, %get3A_601, %get3A_602] : memref<3x128x128xf32, #tpu.memory_space<vmem>>, vector<1x128x128xf32>
    %get3A_604 = vector.shape_cast %get3A_603 : vector<1x128x128xf32> to vector<128x128xf32>
    %get3A_605 = arith.constant 0 : index
    %get3A_606 = arith.constant 0 : index
    %get3A_607 = arith.constant 0 : index
    %get3A_608 = arith.constant 0 : index
    %get3A_609 = vector.load %arg14[%get3A_605, %get3A_606, %get3A_607, %get3A_608] : memref<1x3x128x128xf32, #tpu.memory_space<vmem>>, vector<1x1x128x128xf32>
    %get3A_610 = vector.shape_cast %get3A_609 : vector<1x1x128x128xf32> to vector<128x128xf32>
    %mul3A_611 = vector.broadcast %get3A_562 : f32 to vector<128x128xf32>
    %mul3A_612 = arith.mulf %mul3A_611, %get3A_610 : vector<128x128xf32>
    %add3A_613 = arith.addf %get3A_604, %mul3A_612 : vector<128x128xf32>
    %get3A_614 = arith.constant 0 : index
    %get3A_615 = arith.constant 0 : index
    %get3A_616 = arith.constant 0 : index
    %get3A_617 = arith.constant 0 : index
    %get3A_618 = vector.load %arg8[%get3A_614, %get3A_615, %get3A_616, %get3A_617] : memref<1x3x128x128xf32, #tpu.memory_space<vmem>>, vector<1x1x128x128xf32>
    %get3A_619 = vector.shape_cast %get3A_618 : vector<1x1x128x128xf32> to vector<128x128xf32>
    %mul3A_620 = arith.mulf %sub3A_577, %add3A_613 : vector<128x128xf32>
    %mul3A_621 = arith.mulf %add3A_583, %get3A_619 : vector<128x128xf32>
    %add3A_622 = arith.addf %mul3A_620, %mul3A_621 : vector<128x128xf32>
    %mul3A_623 = arith.mulf %add3A_613, %add3A_613 : vector<128x128xf32>
    %mul3A_624 = arith.mulf %mul3A_623, %get3A_594 : vector<128x128xf32>
    %mul3A_625 = arith.mulf %get3A_619, %get3A_619 : vector<128x128xf32>
    %mul3A_626 = arith.mulf %mul3A_625, %get3A_599 : vector<128x128xf32>
    %add3A_627 = arith.addf %mul3A_624, %mul3A_626 : vector<128x128xf32>
    %mul3A_628 = arith.mulf %exp3A_589, %add3A_627 : vector<128x128xf32>
    %add3A_629 = arith.addf %add3A_622, %mul3A_628 : vector<128x128xf32>
    %mul3A_630 = arith.constant 5.000000e-01 : f32
    %mul3A_631 = vector.broadcast %mul3A_630 : f32 to vector<128x128xf32>
    %mul3A_632 = arith.mulf %mul3A_631, %add3A_629 : vector<128x128xf32>
    %tanh3A_633 = math.tanh %mul3A_632 : vector<128x128xf32>
    %mul3A_634 = arith.constant 5.000000e-01 : f32
    %mul3A_635 = vector.broadcast %mul3A_634 : f32 to vector<128x128xf32>
    %mul3A_636 = arith.mulf %mul3A_635, %tanh3A_633 : vector<128x128xf32>
    %add3A_637 = arith.constant 5.000000e-01 : f32
    %add3A_638 = vector.broadcast %add3A_637 : f32 to vector<128x128xf32>
    %add3A_639 = arith.addf %add3A_638, %mul3A_636 : vector<128x128xf32>
    %swap3A_640 = arith.constant 3 : index
    %swap3A_641 = arith.constant 0 : index
    %swap3A_642 = arith.constant 0 : index
    %swap3A_643 = arith.constant 0 : index
    %swap3A_644 = vector.load %arg17[%swap3A_640, %swap3A_641, %swap3A_642, %swap3A_643] : memref<8x3x128x128xf32, #tpu.memory_space<vmem>>, vector<1x1x128x128xf32>
    %swap3A_645 = vector.shape_cast %swap3A_644 : vector<1x1x128x128xf32> to vector<128x128xf32>
    %swap3A_646 = vector.shape_cast %add3A_639 : vector<128x128xf32> to vector<1x1x128x128xf32>
    tpu.vector_store %arg17[%swap3A_640, %swap3A_641, %swap3A_642, %swap3A_643], %swap3A_646 {strides = array<i32>} : memref<8x3x128x128xf32, #tpu.memory_space<vmem>>, vector<1x1x128x128xf32>,
    %get3A_647 = arith.constant 1 : index
    %get3A_648 = arith.constant 0 : index
    %get3A_649 = arith.constant 0 : index
    %get3A_650 = vector.load %arg13[%get3A_647, %get3A_648, %get3A_649] : memref<3x128x128xf32, #tpu.memory_space<vmem>>, vector<1x128x128xf32>
    %get3A_651 = vector.shape_cast %get3A_650 : vector<1x128x128xf32> to vector<128x128xf32>
    %get3A_652 = arith.constant 0 : index
    %get3A_653 = arith.constant 1 : index
    %get3A_654 = arith.constant 0 : index
    %get3A_655 = arith.constant 0 : index
    %get3A_656 = vector.load %arg14[%get3A_652, %get3A_653, %get3A_654, %get3A_655] : memref<1x3x128x128xf32, #tpu.memory_space<vmem>>, vector<1x1x128x128xf32>
    %get3A_657 = vector.shape_cast %get3A_656 : vector<1x1x128x128xf32> to vector<128x128xf32>
    %mul3A_658 = vector.broadcast %get3A_562 : f32 to vector<128x128xf32>
    %mul3A_659 = arith.mulf %mul3A_658, %get3A_657 : vector<128x128xf32>
    %add3A_660 = arith.addf %get3A_651, %mul3A_659 : vector<128x128xf32>
    %get3A_661 = arith.constant 0 : index
    %get3A_662 = arith.constant 1 : index
    %get3A_663 = arith.constant 0 : index
    %get3A_664 = arith.constant 0 : index
    %get3A_665 = vector.load %arg8[%get3A_661, %get3A_662, %get3A_663, %get3A_664] : memref<1x3x128x128xf32, #tpu.memory_space<vmem>>, vector<1x1x128x128xf32>
    %get3A_666 = vector.shape_cast %get3A_665 : vector<1x1x128x128xf32> to vector<128x128xf32>
    %mul3A_667 = arith.mulf %sub3A_577, %add3A_660 : vector<128x128xf32>
    %mul3A_668 = arith.mulf %add3A_583, %get3A_666 : vector<128x128xf32>
    %add3A_669 = arith.addf %mul3A_667, %mul3A_668 : vector<128x128xf32>
    %mul3A_670 = arith.mulf %add3A_660, %add3A_660 : vector<128x128xf32>
    %mul3A_671 = arith.mulf %mul3A_670, %get3A_594 : vector<128x128xf32>
    %mul3A_672 = arith.mulf %get3A_666, %get3A_666 : vector<128x128xf32>
    %mul3A_673 = arith.mulf %mul3A_672, %get3A_599 : vector<128x128xf32>
    %add3A_674 = arith.addf %mul3A_671, %mul3A_673 : vector<128x128xf32>
    %mul3A_675 = arith.mulf %exp3A_589, %add3A_674 : vector<128x128xf32>
    %add3A_676 = arith.addf %add3A_669, %mul3A_675 : vector<128x128xf32>
    %mul3A_677 = arith.constant 5.000000e-01 : f32
    %mul3A_678 = vector.broadcast %mul3A_677 : f32 to vector<128x128xf32>
    %mul3A_679 = arith.mulf %mul3A_678, %add3A_676 : vector<128x128xf32>
    %tanh3A_680 = math.tanh %mul3A_679 : vector<128x128xf32>
    %mul3A_681 = arith.constant 5.000000e-01 : f32
    %mul3A_682 = vector.broadcast %mul3A_681 : f32 to vector<128x128xf32>
    %mul3A_683 = arith.mulf %mul3A_682, %tanh3A_680 : vector<128x128xf32>
    %add3A_684 = arith.constant 5.000000e-01 : f32
    %add3A_685 = vector.broadcast %add3A_684 : f32 to vector<128x128xf32>
    %add3A_686 = arith.addf %add3A_685, %mul3A_683 : vector<128x128xf32>
    %swap3A_687 = arith.constant 3 : index
    %swap3A_688 = arith.constant 1 : index
    %swap3A_689 = arith.constant 0 : index
    %swap3A_690 = arith.constant 0 : index
    %swap3A_691 = vector.load %arg17[%swap3A_687, %swap3A_688, %swap3A_689, %swap3A_690] : memref<8x3x128x128xf32, #tpu.memory_space<vmem>>, vector<1x1x128x128xf32>
    %swap3A_692 = vector.shape_cast %swap3A_691 : vector<1x1x128x128xf32> to vector<128x128xf32>
    %swap3A_693 = vector.shape_cast %add3A_686 : vector<128x128xf32> to vector<1x1x128x128xf32>
    tpu.vector_store %arg17[%swap3A_687, %swap3A_688, %swap3A_689, %swap3A_690], %swap3A_693 {strides = array<i32>} : memref<8x3x128x128xf32, #tpu.memory_space<vmem>>, vector<1x1x128x128xf32>,
    %get3A_694 = arith.constant 2 : index
    %get3A_695 = arith.constant 0 : index
    %get3A_696 = arith.constant 0 : index
    %get3A_697 = vector.load %arg13[%get3A_694, %get3A_695, %get3A_696] : memref<3x128x128xf32, #tpu.memory_space<vmem>>, vector<1x128x128xf32>
    %get3A_698 = vector.shape_cast %get3A_697 : vector<1x128x128xf32> to vector<128x128xf32>
    %get3A_699 = arith.constant 0 : index
    %get3A_700 = arith.constant 2 : index
    %get3A_701 = arith.constant 0 : index
    %get3A_702 = arith.constant 0 : index
    %get3A_703 = vector.load %arg14[%get3A_699, %get3A_700, %get3A_701, %get3A_702] : memref<1x3x128x128xf32, #tpu.memory_space<vmem>>, vector<1x1x128x128xf32>
    %get3A_704 = vector.shape_cast %get3A_703 : vector<1x1x128x128xf32> to vector<128x128xf32>
    %mul3A_705 = vector.broadcast %get3A_562 : f32 to vector<128x128xf32>
    %mul3A_706 = arith.mulf %mul3A_705, %get3A_704 : vector<128x128xf32>
    %add3A_707 = arith.addf %get3A_698, %mul3A_706 : vector<128x128xf32>
    %get3A_708 = arith.constant 0 : index
    %get3A_709 = arith.constant 2 : index
    %get3A_710 = arith.constant 0 : index
    %get3A_711 = arith.constant 0 : index
    %get3A_712 = vector.load %arg8[%get3A_708, %get3A_709, %get3A_710, %get3A_711] : memref<1x3x128x128xf32, #tpu.memory_space<vmem>>, vector<1x1x128x128xf32>
    %get3A_713 = vector.shape_cast %get3A_712 : vector<1x1x128x128xf32> to vector<128x128xf32>
    %mul3A_714 = arith.mulf %sub3A_577, %add3A_707 : vector<128x128xf32>
    %mul3A_715 = arith.mulf %add3A_583, %get3A_713 : vector<128x128xf32>
    %add3A_716 = arith.addf %mul3A_714, %mul3A_715 : vector<128x128xf32>
    %mul3A_717 = arith.mulf %add3A_707, %add3A_707 : vector<128x128xf32>
    %mul3A_718 = arith.mulf %mul3A_717, %get3A_594 : vector<128x128xf32>
    %mul3A_719 = arith.mulf %get3A_713, %get3A_713 : vector<128x128xf32>
    %mul3A_720 = arith.mulf %mul3A_719, %get3A_599 : vector<128x128xf32>
    %add3A_721 = arith.addf %mul3A_718, %mul3A_720 : vector<128x128xf32>
    %mul3A_722 = arith.mulf %exp3A_589, %add3A_721 : vector<128x128xf32>
    %add3A_723 = arith.addf %add3A_716, %mul3A_722 : vector<128x128xf32>
    %mul3A_724 = arith.constant 5.000000e-01 : f32
    %mul3A_725 = vector.broadcast %mul3A_724 : f32 to vector<128x128xf32>
    %mul3A_726 = arith.mulf %mul3A_725, %add3A_723 : vector<128x128xf32>
    %tanh3A_727 = math.tanh %mul3A_726 : vector<128x128xf32>
    %mul3A_728 = arith.constant 5.000000e-01 : f32
    %mul3A_729 = vector.broadcast %mul3A_728 : f32 to vector<128x128xf32>
    %mul3A_730 = arith.mulf %mul3A_729, %tanh3A_727 : vector<128x128xf32>
    %add3A_731 = arith.constant 5.000000e-01 : f32
    %add3A_732 = vector.broadcast %add3A_731 : f32 to vector<128x128xf32>
    %add3A_733 = arith.addf %add3A_732, %mul3A_730 : vector<128x128xf32>
    %swap3A_734 = arith.constant 3 : index
    %swap3A_735 = arith.constant 2 : index
    %swap3A_736 = arith.constant 0 : index
    %swap3A_737 = arith.constant 0 : index
    %swap3A_738 = vector.load %arg17[%swap3A_734, %swap3A_735, %swap3A_736, %swap3A_737] : memref<8x3x128x128xf32, #tpu.memory_space<vmem>>, vector<1x1x128x128xf32>
    %swap3A_739 = vector.shape_cast %swap3A_738 : vector<1x1x128x128xf32> to vector<128x128xf32>
    %swap3A_740 = vector.shape_cast %add3A_733 : vector<128x128xf32> to vector<1x1x128x128xf32>
    tpu.vector_store %arg17[%swap3A_734, %swap3A_735, %swap3A_736, %swap3A_737], %swap3A_740 {strides = array<i32>} : memref<8x3x128x128xf32, #tpu.memory_space<vmem>>, vector<1x1x128x128xf32>,
    %mul3A_741 = arith.constant 8 : i32
    %mul3A_742 = arith.muli %arg0, %mul3A_741 : i32
    %add3A_743 = arith.constant 4 : i32
    %add3A_744 = arith.addi %mul3A_742, %add3A_743 : i32
    %get3A_745 = arith.index_cast %add3A_744 : i32 to index
    %get3A_746 = memref.load %arg1[%get3A_745] : memref<64xi32, #tpu.memory_space<smem>>
    %get3A_747 = arith.constant 0 : index
    %get3A_748 = arith.index_cast %get3A_746 : i32 to index
    %get3A_749 = memref.load %arg4[%get3A_747, %get3A_748] : memref<1x512xf32, #tpu.memory_space<smem>>
    %get3A_750 = arith.constant 4 : index
    %get3A_751 = arith.constant 0 : index
    %get3A_752 = arith.constant 0 : index
    %get3A_753 = vector.load %arg2[%get3A_750, %get3A_751, %get3A_752] : memref<8x128x128xf32, #tpu.memory_space<vmem>>, vector<1x128x128xf32>
    %get3A_754 = vector.shape_cast %get3A_753 : vector<1x128x128xf32> to vector<128x128xf32>
    %mul3A_755 = arith.constant 5.000000e-01 : f32
    %mul3A_756 = vector.broadcast %mul3A_755 : f32 to vector<128x128xf32>
    %mul3A_757 = arith.mulf %mul3A_756, %get3A_754 : vector<128x128xf32>
    %tanh3A_758 = math.tanh %mul3A_757 : vector<128x128xf32>
    %mul3A_759 = arith.constant 5.000000e-01 : f32
    %mul3A_760 = vector.broadcast %mul3A_759 : f32 to vector<128x128xf32>
    %mul3A_761 = arith.mulf %mul3A_760, %tanh3A_758 : vector<128x128xf32>
    %sub3A_762 = arith.constant 5.000000e-01 : f32
    %sub3A_763 = vector.broadcast %sub3A_762 : f32 to vector<128x128xf32>
    %sub3A_764 = arith.subf %sub3A_763, %mul3A_761 : vector<128x128xf32>
    %mul3A_765 = arith.constant 5.000000e-01 : f32
    %mul3A_766 = vector.broadcast %mul3A_765 : f32 to vector<128x128xf32>
    %mul3A_767 = arith.mulf %mul3A_766, %tanh3A_758 : vector<128x128xf32>
    %add3A_768 = arith.constant 5.000000e-01 : f32
    %add3A_769 = vector.broadcast %add3A_768 : f32 to vector<128x128xf32>
    %add3A_770 = arith.addf %add3A_769, %mul3A_767 : vector<128x128xf32>
    %get3A_771 = arith.constant 4 : index
    %get3A_772 = arith.constant 0 : index
    %get3A_773 = arith.constant 0 : index
    %get3A_774 = vector.load %arg3[%get3A_771, %get3A_772, %get3A_773] : memref<8x128x128xf32, #tpu.memory_space<vmem>>, vector<1x128x128xf32>
    %get3A_775 = vector.shape_cast %get3A_774 : vector<1x128x128xf32> to vector<128x128xf32>
    %exp3A_776 = math.exp %get3A_775 : vector<128x128xf32>
    %get3A_777 = arith.constant 4 : index
    %get3A_778 = arith.constant 0 : index
    %get3A_779 = arith.constant 0 : index
    %get3A_780 = vector.load %arg15[%get3A_777, %get3A_778, %get3A_779] : memref<8x128x128xf32, #tpu.memory_space<vmem>>, vector<1x128x128xf32>
    %get3A_781 = vector.shape_cast %get3A_780 : vector<1x128x128xf32> to vector<128x128xf32>
    %get3A_782 = arith.constant 4 : index
    %get3A_783 = arith.constant 0 : index
    %get3A_784 = arith.constant 0 : index
    %get3A_785 = vector.load %arg16[%get3A_782, %get3A_783, %get3A_784] : memref<8x128x128xf32, #tpu.memory_space<vmem>>, vector<1x128x128xf32>
    %get3A_786 = vector.shape_cast %get3A_785 : vector<1x128x128xf32> to vector<128x128xf32>
    %get3A_787 = arith.constant 0 : index
    %get3A_788 = arith.constant 0 : index
    %get3A_789 = arith.constant 0 : index
    %get3A_790 = vector.load %arg13[%get3A_787, %get3A_788, %get3A_789] : memref<3x128x128xf32, #tpu.memory_space<vmem>>, vector<1x128x128xf32>
    %get3A_791 = vector.shape_cast %get3A_790 : vector<1x128x128xf32> to vector<128x128xf32>
    %get3A_792 = arith.constant 0 : index
    %get3A_793 = arith.constant 0 : index
    %get3A_794 = arith.constant 0 : index
    %get3A_795 = arith.constant 0 : index
    %get3A_796 = vector.load %arg14[%get3A_792, %get3A_793, %get3A_794, %get3A_795] : memref<1x3x128x128xf32, #tpu.memory_space<vmem>>, vector<1x1x128x128xf32>
    %get3A_797 = vector.shape_cast %get3A_796 : vector<1x1x128x128xf32> to vector<128x128xf32>
    %mul3A_798 = vector.broadcast %get3A_749 : f32 to vector<128x128xf32>
    %mul3A_799 = arith.mulf %mul3A_798, %get3A_797 : vector<128x128xf32>
    %add3A_800 = arith.addf %get3A_791, %mul3A_799 : vector<128x128xf32>
    %get3A_801 = arith.constant 0 : index
    %get3A_802 = arith.constant 0 : index
    %get3A_803 = arith.constant 0 : index
    %get3A_804 = arith.constant 0 : index
    %get3A_805 = vector.load %arg9[%get3A_801, %get3A_802, %get3A_803, %get3A_804] : memref<1x3x128x128xf32, #tpu.memory_space<vmem>>, vector<1x1x128x128xf32>
    %get3A_806 = vector.shape_cast %get3A_805 : vector<1x1x128x128xf32> to vector<128x128xf32>
    %mul3A_807 = arith.mulf %sub3A_764, %add3A_800 : vector<128x128xf32>
    %mul3A_808 = arith.mulf %add3A_770, %get3A_806 : vector<128x128xf32>
    %add3A_809 = arith.addf %mul3A_807, %mul3A_808 : vector<128x128xf32>
    %mul3A_810 = arith.mulf %add3A_800, %add3A_800 : vector<128x128xf32>
    %mul3A_811 = arith.mulf %mul3A_810, %get3A_781 : vector<128x128xf32>
    %mul3A_812 = arith.mulf %get3A_806, %get3A_806 : vector<128x128xf32>
    %mul3A_813 = arith.mulf %mul3A_812, %get3A_786 : vector<128x128xf32>
    %add3A_814 = arith.addf %mul3A_811, %mul3A_813 : vector<128x128xf32>
    %mul3A_815 = arith.mulf %exp3A_776, %add3A_814 : vector<128x128xf32>
    %add3A_816 = arith.addf %add3A_809, %mul3A_815 : vector<128x128xf32>
    %mul3A_817 = arith.constant 5.000000e-01 : f32
    %mul3A_818 = vector.broadcast %mul3A_817 : f32 to vector<128x128xf32>
    %mul3A_819 = arith.mulf %mul3A_818, %add3A_816 : vector<128x128xf32>
    %tanh3A_820 = math.tanh %mul3A_819 : vector<128x128xf32>
    %mul3A_821 = arith.constant 5.000000e-01 : f32
    %mul3A_822 = vector.broadcast %mul3A_821 : f32 to vector<128x128xf32>
    %mul3A_823 = arith.mulf %mul3A_822, %tanh3A_820 : vector<128x128xf32>
    %add3A_824 = arith.constant 5.000000e-01 : f32
    %add3A_825 = vector.broadcast %add3A_824 : f32 to vector<128x128xf32>
    %add3A_826 = arith.addf %add3A_825, %mul3A_823 : vector<128x128xf32>
    %swap3A_827 = arith.constant 4 : index
    %swap3A_828 = arith.constant 0 : index
    %swap3A_829 = arith.constant 0 : index
    %swap3A_830 = arith.constant 0 : index
    %swap3A_831 = vector.load %arg17[%swap3A_827, %swap3A_828, %swap3A_829, %swap3A_830] : memref<8x3x128x128xf32, #tpu.memory_space<vmem>>, vector<1x1x128x128xf32>
    %swap3A_832 = vector.shape_cast %swap3A_831 : vector<1x1x128x128xf32> to vector<128x128xf32>
    %swap3A_833 = vector.shape_cast %add3A_826 : vector<128x128xf32> to vector<1x1x128x128xf32>
    tpu.vector_store %arg17[%swap3A_827, %swap3A_828, %swap3A_829, %swap3A_830], %swap3A_833 {strides = array<i32>} : memref<8x3x128x128xf32, #tpu.memory_space<vmem>>, vector<1x1x128x128xf32>,
    %get3A_834 = arith.constant 1 : index
    %get3A_835 = arith.constant 0 : index
    %get3A_836 = arith.constant 0 : index
    %get3A_837 = vector.load %arg13[%get3A_834, %get3A_835, %get3A_836] : memref<3x128x128xf32, #tpu.memory_space<vmem>>, vector<1x128x128xf32>
    %get3A_838 = vector.shape_cast %get3A_837 : vector<1x128x128xf32> to vector<128x128xf32>
    %get3A_839 = arith.constant 0 : index
    %get3A_840 = arith.constant 1 : index
    %get3A_841 = arith.constant 0 : index
    %get3A_842 = arith.constant 0 : index
    %get3A_843 = vector.load %arg14[%get3A_839, %get3A_840, %get3A_841, %get3A_842] : memref<1x3x128x128xf32, #tpu.memory_space<vmem>>, vector<1x1x128x128xf32>
    %get3A_844 = vector.shape_cast %get3A_843 : vector<1x1x128x128xf32> to vector<128x128xf32>
    %mul3A_845 = vector.broadcast %get3A_749 : f32 to vector<128x128xf32>
    %mul3A_846 = arith.mulf %mul3A_845, %get3A_844 : vector<128x128xf32>
    %add3A_847 = arith.addf %get3A_838, %mul3A_846 : vector<128x128xf32>
    %get3A_848 = arith.constant 0 : index
    %get3A_849 = arith.constant 1 : index
    %get3A_850 = arith.constant 0 : index
    %get3A_851 = arith.constant 0 : index
    %get3A_852 = vector.load %arg9[%get3A_848, %get3A_849, %get3A_850, %get3A_851] : memref<1x3x128x128xf32, #tpu.memory_space<vmem>>, vector<1x1x128x128xf32>
    %get3A_853 = vector.shape_cast %get3A_852 : vector<1x1x128x128xf32> to vector<128x128xf32>
    %mul3A_854 = arith.mulf %sub3A_764, %add3A_847 : vector<128x128xf32>
    %mul3A_855 = arith.mulf %add3A_770, %get3A_853 : vector<128x128xf32>
    %add3A_856 = arith.addf %mul3A_854, %mul3A_855 : vector<128x128xf32>
    %mul3A_857 = arith.mulf %add3A_847, %add3A_847 : vector<128x128xf32>
    %mul3A_858 = arith.mulf %mul3A_857, %get3A_781 : vector<128x128xf32>
    %mul3A_859 = arith.mulf %get3A_853, %get3A_853 : vector<128x128xf32>
    %mul3A_860 = arith.mulf %mul3A_859, %get3A_786 : vector<128x128xf32>
    %add3A_861 = arith.addf %mul3A_858, %mul3A_860 : vector<128x128xf32>
    %mul3A_862 = arith.mulf %exp3A_776, %add3A_861 : vector<128x128xf32>
    %add3A_863 = arith.addf %add3A_856, %mul3A_862 : vector<128x128xf32>
    %mul3A_864 = arith.constant 5.000000e-01 : f32
    %mul3A_865 = vector.broadcast %mul3A_864 : f32 to vector<128x128xf32>
    %mul3A_866 = arith.mulf %mul3A_865, %add3A_863 : vector<128x128xf32>
    %tanh3A_867 = math.tanh %mul3A_866 : vector<128x128xf32>
    %mul3A_868 = arith.constant 5.000000e-01 : f32
    %mul3A_869 = vector.broadcast %mul3A_868 : f32 to vector<128x128xf32>
    %mul3A_870 = arith.mulf %mul3A_869, %tanh3A_867 : vector<128x128xf32>
    %add3A_871 = arith.constant 5.000000e-01 : f32
    %add3A_872 = vector.broadcast %add3A_871 : f32 to vector<128x128xf32>
    %add3A_873 = arith.addf %add3A_872, %mul3A_870 : vector<128x128xf32>
    %swap3A_874 = arith.constant 4 : index
    %swap3A_875 = arith.constant 1 : index
    %swap3A_876 = arith.constant 0 : index
    %swap3A_877 = arith.constant 0 : index
    %swap3A_878 = vector.load %arg17[%swap3A_874, %swap3A_875, %swap3A_876, %swap3A_877] : memref<8x3x128x128xf32, #tpu.memory_space<vmem>>, vector<1x1x128x128xf32>
    %swap3A_879 = vector.shape_cast %swap3A_878 : vector<1x1x128x128xf32> to vector<128x128xf32>
    %swap3A_880 = vector.shape_cast %add3A_873 : vector<128x128xf32> to vector<1x1x128x128xf32>
    tpu.vector_store %arg17[%swap3A_874, %swap3A_875, %swap3A_876, %swap3A_877], %swap3A_880 {strides = array<i32>} : memref<8x3x128x128xf32, #tpu.memory_space<vmem>>, vector<1x1x128x128xf32>,
    %get3A_881 = arith.constant 2 : index
    %get3A_882 = arith.constant 0 : index
    %get3A_883 = arith.constant 0 : index
    %get3A_884 = vector.load %arg13[%get3A_881, %get3A_882, %get3A_883] : memref<3x128x128xf32, #tpu.memory_space<vmem>>, vector<1x128x128xf32>
    %get3A_885 = vector.shape_cast %get3A_884 : vector<1x128x128xf32> to vector<128x128xf32>
    %get3A_886 = arith.constant 0 : index
    %get3A_887 = arith.constant 2 : index
    %get3A_888 = arith.constant 0 : index
    %get3A_889 = arith.constant 0 : index
    %get3A_890 = vector.load %arg14[%get3A_886, %get3A_887, %get3A_888, %get3A_889] : memref<1x3x128x128xf32, #tpu.memory_space<vmem>>, vector<1x1x128x128xf32>
    %get3A_891 = vector.shape_cast %get3A_890 : vector<1x1x128x128xf32> to vector<128x128xf32>
    %mul3A_892 = vector.broadcast %get3A_749 : f32 to vector<128x128xf32>
    %mul3A_893 = arith.mulf %mul3A_892, %get3A_891 : vector<128x128xf32>
    %add3A_894 = arith.addf %get3A_885, %mul3A_893 : vector<128x128xf32>
    %get3A_895 = arith.constant 0 : index
    %get3A_896 = arith.constant 2 : index
    %get3A_897 = arith.constant 0 : index
    %get3A_898 = arith.constant 0 : index
    %get3A_899 = vector.load %arg9[%get3A_895, %get3A_896, %get3A_897, %get3A_898] : memref<1x3x128x128xf32, #tpu.memory_space<vmem>>, vector<1x1x128x128xf32>
    %get3A_900 = vector.shape_cast %get3A_899 : vector<1x1x128x128xf32> to vector<128x128xf32>
    %mul3A_901 = arith.mulf %sub3A_764, %add3A_894 : vector<128x128xf32>
    %mul3A_902 = arith.mulf %add3A_770, %get3A_900 : vector<128x128xf32>
    %add3A_903 = arith.addf %mul3A_901, %mul3A_902 : vector<128x128xf32>
    %mul3A_904 = arith.mulf %add3A_894, %add3A_894 : vector<128x128xf32>
    %mul3A_905 = arith.mulf %mul3A_904, %get3A_781 : vector<128x128xf32>
    %mul3A_906 = arith.mulf %get3A_900, %get3A_900 : vector<128x128xf32>
    %mul3A_907 = arith.mulf %mul3A_906, %get3A_786 : vector<128x128xf32>
    %add3A_908 = arith.addf %mul3A_905, %mul3A_907 : vector<128x128xf32>
    %mul3A_909 = arith.mulf %exp3A_776, %add3A_908 : vector<128x128xf32>
    %add3A_910 = arith.addf %add3A_903, %mul3A_909 : vector<128x128xf32>
    %mul3A_911 = arith.constant 5.000000e-01 : f32
    %mul3A_912 = vector.broadcast %mul3A_911 : f32 to vector<128x128xf32>
    %mul3A_913 = arith.mulf %mul3A_912, %add3A_910 : vector<128x128xf32>
    %tanh3A_914 = math.tanh %mul3A_913 : vector<128x128xf32>
    %mul3A_915 = arith.constant 5.000000e-01 : f32
    %mul3A_916 = vector.broadcast %mul3A_915 : f32 to vector<128x128xf32>
    %mul3A_917 = arith.mulf %mul3A_916, %tanh3A_914 : vector<128x128xf32>
    %add3A_918 = arith.constant 5.000000e-01 : f32
    %add3A_919 = vector.broadcast %add3A_918 : f32 to vector<128x128xf32>
    %add3A_920 = arith.addf %add3A_919, %mul3A_917 : vector<128x128xf32>
    %swap3A_921 = arith.constant 4 : index
    %swap3A_922 = arith.constant 2 : index
    %swap3A_923 = arith.constant 0 : index
    %swap3A_924 = arith.constant 0 : index
    %swap3A_925 = vector.load %arg17[%swap3A_921, %swap3A_922, %swap3A_923, %swap3A_924] : memref<8x3x128x128xf32, #tpu.memory_space<vmem>>, vector<1x1x128x128xf32>
    %swap3A_926 = vector.shape_cast %swap3A_925 : vector<1x1x128x128xf32> to vector<128x128xf32>
    %swap3A_927 = vector.shape_cast %add3A_920 : vector<128x128xf32> to vector<1x1x128x128xf32>
    tpu.vector_store %arg17[%swap3A_921, %swap3A_922, %swap3A_923, %swap3A_924], %swap3A_927 {strides = array<i32>} : memref<8x3x128x128xf32, #tpu.memory_space<vmem>>, vector<1x1x128x128xf32>,
    %mul3A_928 = arith.constant 8 : i32
    %mul3A_929 = arith.muli %arg0, %mul3A_928 : i32
    %add3A_930 = arith.constant 5 : i32
    %add3A_931 = arith.addi %mul3A_929, %add3A_930 : i32
    %get3A_932 = arith.index_cast %add3A_931 : i32 to index
    %get3A_933 = memref.load %arg1[%get3A_932] : memref<64xi32, #tpu.memory_space<smem>>
    %get3A_934 = arith.constant 0 : index
    %get3A_935 = arith.index_cast %get3A_933 : i32 to index
    %get3A_936 = memref.load %arg4[%get3A_934, %get3A_935] : memref<1x512xf32, #tpu.memory_space<smem>>
    %get3A_937 = arith.constant 5 : index
    %get3A_938 = arith.constant 0 : index
    %get3A_939 = arith.constant 0 : index
    %get3A_940 = vector.load %arg2[%get3A_937, %get3A_938, %get3A_939] : memref<8x128x128xf32, #tpu.memory_space<vmem>>, vector<1x128x128xf32>
    %get3A_941 = vector.shape_cast %get3A_940 : vector<1x128x128xf32> to vector<128x128xf32>
    %mul3A_942 = arith.constant 5.000000e-01 : f32
    %mul3A_943 = vector.broadcast %mul3A_942 : f32 to vector<128x128xf32>
    %mul3A_944 = arith.mulf %mul3A_943, %get3A_941 : vector<128x128xf32>
    %tanh3A_945 = math.tanh %mul3A_944 : vector<128x128xf32>
    %mul3A_946 = arith.constant 5.000000e-01 : f32
    %mul3A_947 = vector.broadcast %mul3A_946 : f32 to vector<128x128xf32>
    %mul3A_948 = arith.mulf %mul3A_947, %tanh3A_945 : vector<128x128xf32>
    %sub3A_949 = arith.constant 5.000000e-01 : f32
    %sub3A_950 = vector.broadcast %sub3A_949 : f32 to vector<128x128xf32>
    %sub3A_951 = arith.subf %sub3A_950, %mul3A_948 : vector<128x128xf32>
    %mul3A_952 = arith.constant 5.000000e-01 : f32
    %mul3A_953 = vector.broadcast %mul3A_952 : f32 to vector<128x128xf32>
    %mul3A_954 = arith.mulf %mul3A_953, %tanh3A_945 : vector<128x128xf32>
    %add3A_955 = arith.constant 5.000000e-01 : f32
    %add3A_956 = vector.broadcast %add3A_955 : f32 to vector<128x128xf32>
    %add3A_957 = arith.addf %add3A_956, %mul3A_954 : vector<128x128xf32>
    %get3A_958 = arith.constant 5 : index
    %get3A_959 = arith.constant 0 : index
    %get3A_960 = arith.constant 0 : index
    %get3A_961 = vector.load %arg3[%get3A_958, %get3A_959, %get3A_960] : memref<8x128x128xf32, #tpu.memory_space<vmem>>, vector<1x128x128xf32>
    %get3A_962 = vector.shape_cast %get3A_961 : vector<1x128x128xf32> to vector<128x128xf32>
    %exp3A_963 = math.exp %get3A_962 : vector<128x128xf32>
    %get3A_964 = arith.constant 5 : index
    %get3A_965 = arith.constant 0 : index
    %get3A_966 = arith.constant 0 : index
    %get3A_967 = vector.load %arg15[%get3A_964, %get3A_965, %get3A_966] : memref<8x128x128xf32, #tpu.memory_space<vmem>>, vector<1x128x128xf32>
    %get3A_968 = vector.shape_cast %get3A_967 : vector<1x128x128xf32> to vector<128x128xf32>
    %get3A_969 = arith.constant 5 : index
    %get3A_970 = arith.constant 0 : index
    %get3A_971 = arith.constant 0 : index
    %get3A_972 = vector.load %arg16[%get3A_969, %get3A_970, %get3A_971] : memref<8x128x128xf32, #tpu.memory_space<vmem>>, vector<1x128x128xf32>
    %get3A_973 = vector.shape_cast %get3A_972 : vector<1x128x128xf32> to vector<128x128xf32>
    %get3A_974 = arith.constant 0 : index
    %get3A_975 = arith.constant 0 : index
    %get3A_976 = arith.constant 0 : index
    %get3A_977 = vector.load %arg13[%get3A_974, %get3A_975, %get3A_976] : memref<3x128x128xf32, #tpu.memory_space<vmem>>, vector<1x128x128xf32>
    %get3A_978 = vector.shape_cast %get3A_977 : vector<1x128x128xf32> to vector<128x128xf32>
    %get3A_979 = arith.constant 0 : index
    %get3A_980 = arith.constant 0 : index
    %get3A_981 = arith.constant 0 : index
    %get3A_982 = arith.constant 0 : index
    %get3A_983 = vector.load %arg14[%get3A_979, %get3A_980, %get3A_981, %get3A_982] : memref<1x3x128x128xf32, #tpu.memory_space<vmem>>, vector<1x1x128x128xf32>
    %get3A_984 = vector.shape_cast %get3A_983 : vector<1x1x128x128xf32> to vector<128x128xf32>
    %mul3A_985 = vector.broadcast %get3A_936 : f32 to vector<128x128xf32>
    %mul3A_986 = arith.mulf %mul3A_985, %get3A_984 : vector<128x128xf32>
    %add3A_987 = arith.addf %get3A_978, %mul3A_986 : vector<128x128xf32>
    %get3A_988 = arith.constant 0 : index
    %get3A_989 = arith.constant 0 : index
    %get3A_990 = arith.constant 0 : index
    %get3A_991 = arith.constant 0 : index
    %get3A_992 = vector.load %arg10[%get3A_988, %get3A_989, %get3A_990, %get3A_991] : memref<1x3x128x128xf32, #tpu.memory_space<vmem>>, vector<1x1x128x128xf32>
    %get3A_993 = vector.shape_cast %get3A_992 : vector<1x1x128x128xf32> to vector<128x128xf32>
    %mul3A_994 = arith.mulf %sub3A_951, %add3A_987 : vector<128x128xf32>
    %mul3A_995 = arith.mulf %add3A_957, %get3A_993 : vector<128x128xf32>
    %add3A_996 = arith.addf %mul3A_994, %mul3A_995 : vector<128x128xf32>
    %mul3A_997 = arith.mulf %add3A_987, %add3A_987 : vector<128x128xf32>
    %mul3A_998 = arith.mulf %mul3A_997, %get3A_968 : vector<128x128xf32>
    %mul3A_999 = arith.mulf %get3A_993, %get3A_993 : vector<128x128xf32>
    %mul3A_1000 = arith.mulf %mul3A_999, %get3A_973 : vector<128x128xf32>
    %add3A_1001 = arith.addf %mul3A_998, %mul3A_1000 : vector<128x128xf32>
    %mul3A_1002 = arith.mulf %exp3A_963, %add3A_1001 : vector<128x128xf32>
    %add3A_1003 = arith.addf %add3A_996, %mul3A_1002 : vector<128x128xf32>
    %mul3A_1004 = arith.constant 5.000000e-01 : f32
    %mul3A_1005 = vector.broadcast %mul3A_1004 : f32 to vector<128x128xf32>
    %mul3A_1006 = arith.mulf %mul3A_1005, %add3A_1003 : vector<128x128xf32>
    %tanh3A_1007 = math.tanh %mul3A_1006 : vector<128x128xf32>
    %mul3A_1008 = arith.constant 5.000000e-01 : f32
    %mul3A_1009 = vector.broadcast %mul3A_1008 : f32 to vector<128x128xf32>
    %mul3A_1010 = arith.mulf %mul3A_1009, %tanh3A_1007 : vector<128x128xf32>
    %add3A_1011 = arith.constant 5.000000e-01 : f32
    %add3A_1012 = vector.broadcast %add3A_1011 : f32 to vector<128x128xf32>
    %add3A_1013 = arith.addf %add3A_1012, %mul3A_1010 : vector<128x128xf32>
    %swap3A_1014 = arith.constant 5 : index
    %swap3A_1015 = arith.constant 0 : index
    %swap3A_1016 = arith.constant 0 : index
    %swap3A_1017 = arith.constant 0 : index
    %swap3A_1018 = vector.load %arg17[%swap3A_1014, %swap3A_1015, %swap3A_1016, %swap3A_1017] : memref<8x3x128x128xf32, #tpu.memory_space<vmem>>, vector<1x1x128x128xf32>
    %swap3A_1019 = vector.shape_cast %swap3A_1018 : vector<1x1x128x128xf32> to vector<128x128xf32>
    %swap3A_1020 = vector.shape_cast %add3A_1013 : vector<128x128xf32> to vector<1x1x128x128xf32>
    tpu.vector_store %arg17[%swap3A_1014, %swap3A_1015, %swap3A_1016, %swap3A_1017], %swap3A_1020 {strides = array<i32>} : memref<8x3x128x128xf32, #tpu.memory_space<vmem>>, vector<1x1x128x128xf32>,
    %get3A_1021 = arith.constant 1 : index
    %get3A_1022 = arith.constant 0 : index
    %get3A_1023 = arith.constant 0 : index
    %get3A_1024 = vector.load %arg13[%get3A_1021, %get3A_1022, %get3A_1023] : memref<3x128x128xf32, #tpu.memory_space<vmem>>, vector<1x128x128xf32>
    %get3A_1025 = vector.shape_cast %get3A_1024 : vector<1x128x128xf32> to vector<128x128xf32>
    %get3A_1026 = arith.constant 0 : index
    %get3A_1027 = arith.constant 1 : index
    %get3A_1028 = arith.constant 0 : index
    %get3A_1029 = arith.constant 0 : index
    %get3A_1030 = vector.load %arg14[%get3A_1026, %get3A_1027, %get3A_1028, %get3A_1029] : memref<1x3x128x128xf32, #tpu.memory_space<vmem>>, vector<1x1x128x128xf32>
    %get3A_1031 = vector.shape_cast %get3A_1030 : vector<1x1x128x128xf32> to vector<128x128xf32>
    %mul3A_1032 = vector.broadcast %get3A_936 : f32 to vector<128x128xf32>
    %mul3A_1033 = arith.mulf %mul3A_1032, %get3A_1031 : vector<128x128xf32>
    %add3A_1034 = arith.addf %get3A_1025, %mul3A_1033 : vector<128x128xf32>
    %get3A_1035 = arith.constant 0 : index
    %get3A_1036 = arith.constant 1 : index
    %get3A_1037 = arith.constant 0 : index
    %get3A_1038 = arith.constant 0 : index
    %get3A_1039 = vector.load %arg10[%get3A_1035, %get3A_1036, %get3A_1037, %get3A_1038] : memref<1x3x128x128xf32, #tpu.memory_space<vmem>>, vector<1x1x128x128xf32>
    %get3A_1040 = vector.shape_cast %get3A_1039 : vector<1x1x128x128xf32> to vector<128x128xf32>
    %mul3A_1041 = arith.mulf %sub3A_951, %add3A_1034 : vector<128x128xf32>
    %mul3A_1042 = arith.mulf %add3A_957, %get3A_1040 : vector<128x128xf32>
    %add3A_1043 = arith.addf %mul3A_1041, %mul3A_1042 : vector<128x128xf32>
    %mul3A_1044 = arith.mulf %add3A_1034, %add3A_1034 : vector<128x128xf32>
    %mul3A_1045 = arith.mulf %mul3A_1044, %get3A_968 : vector<128x128xf32>
    %mul3A_1046 = arith.mulf %get3A_1040, %get3A_1040 : vector<128x128xf32>
    %mul3A_1047 = arith.mulf %mul3A_1046, %get3A_973 : vector<128x128xf32>
    %add3A_1048 = arith.addf %mul3A_1045, %mul3A_1047 : vector<128x128xf32>
    %mul3A_1049 = arith.mulf %exp3A_963, %add3A_1048 : vector<128x128xf32>
    %add3A_1050 = arith.addf %add3A_1043, %mul3A_1049 : vector<128x128xf32>
    %mul3A_1051 = arith.constant 5.000000e-01 : f32
    %mul3A_1052 = vector.broadcast %mul3A_1051 : f32 to vector<128x128xf32>
    %mul3A_1053 = arith.mulf %mul3A_1052, %add3A_1050 : vector<128x128xf32>
    %tanh3A_1054 = math.tanh %mul3A_1053 : vector<128x128xf32>
    %mul3A_1055 = arith.constant 5.000000e-01 : f32
    %mul3A_1056 = vector.broadcast %mul3A_1055 : f32 to vector<128x128xf32>
    %mul3A_1057 = arith.mulf %mul3A_1056, %tanh3A_1054 : vector<128x128xf32>
    %add3A_1058 = arith.constant 5.000000e-01 : f32
    %add3A_1059 = vector.broadcast %add3A_1058 : f32 to vector<128x128xf32>
    %add3A_1060 = arith.addf %add3A_1059, %mul3A_1057 : vector<128x128xf32>
    %swap3A_1061 = arith.constant 5 : index
    %swap3A_1062 = arith.constant 1 : index
    %swap3A_1063 = arith.constant 0 : index
    %swap3A_1064 = arith.constant 0 : index
    %swap3A_1065 = vector.load %arg17[%swap3A_1061, %swap3A_1062, %swap3A_1063, %swap3A_1064] : memref<8x3x128x128xf32, #tpu.memory_space<vmem>>, vector<1x1x128x128xf32>
    %swap3A_1066 = vector.shape_cast %swap3A_1065 : vector<1x1x128x128xf32> to vector<128x128xf32>
    %swap3A_1067 = vector.shape_cast %add3A_1060 : vector<128x128xf32> to vector<1x1x128x128xf32>
    tpu.vector_store %arg17[%swap3A_1061, %swap3A_1062, %swap3A_1063, %swap3A_1064], %swap3A_1067 {strides = array<i32>} : memref<8x3x128x128xf32, #tpu.memory_space<vmem>>, vector<1x1x128x128xf32>,
    %get3A_1068 = arith.constant 2 : index
    %get3A_1069 = arith.constant 0 : index
    %get3A_1070 = arith.constant 0 : index
    %get3A_1071 = vector.load %arg13[%get3A_1068, %get3A_1069, %get3A_1070] : memref<3x128x128xf32, #tpu.memory_space<vmem>>, vector<1x128x128xf32>
    %get3A_1072 = vector.shape_cast %get3A_1071 : vector<1x128x128xf32> to vector<128x128xf32>
    %get3A_1073 = arith.constant 0 : index
    %get3A_1074 = arith.constant 2 : index
    %get3A_1075 = arith.constant 0 : index
    %get3A_1076 = arith.constant 0 : index
    %get3A_1077 = vector.load %arg14[%get3A_1073, %get3A_1074, %get3A_1075, %get3A_1076] : memref<1x3x128x128xf32, #tpu.memory_space<vmem>>, vector<1x1x128x128xf32>
    %get3A_1078 = vector.shape_cast %get3A_1077 : vector<1x1x128x128xf32> to vector<128x128xf32>
    %mul3A_1079 = vector.broadcast %get3A_936 : f32 to vector<128x128xf32>
    %mul3A_1080 = arith.mulf %mul3A_1079, %get3A_1078 : vector<128x128xf32>
    %add3A_1081 = arith.addf %get3A_1072, %mul3A_1080 : vector<128x128xf32>
    %get3A_1082 = arith.constant 0 : index
    %get3A_1083 = arith.constant 2 : index
    %get3A_1084 = arith.constant 0 : index
    %get3A_1085 = arith.constant 0 : index
    %get3A_1086 = vector.load %arg10[%get3A_1082, %get3A_1083, %get3A_1084, %get3A_1085] : memref<1x3x128x128xf32, #tpu.memory_space<vmem>>, vector<1x1x128x128xf32>
    %get3A_1087 = vector.shape_cast %get3A_1086 : vector<1x1x128x128xf32> to vector<128x128xf32>
    %mul3A_1088 = arith.mulf %sub3A_951, %add3A_1081 : vector<128x128xf32>
    %mul3A_1089 = arith.mulf %add3A_957, %get3A_1087 : vector<128x128xf32>
    %add3A_1090 = arith.addf %mul3A_1088, %mul3A_1089 : vector<128x128xf32>
    %mul3A_1091 = arith.mulf %add3A_1081, %add3A_1081 : vector<128x128xf32>
    %mul3A_1092 = arith.mulf %mul3A_1091, %get3A_968 : vector<128x128xf32>
    %mul3A_1093 = arith.mulf %get3A_1087, %get3A_1087 : vector<128x128xf32>
    %mul3A_1094 = arith.mulf %mul3A_1093, %get3A_973 : vector<128x128xf32>
    %add3A_1095 = arith.addf %mul3A_1092, %mul3A_1094 : vector<128x128xf32>
    %mul3A_1096 = arith.mulf %exp3A_963, %add3A_1095 : vector<128x128xf32>
    %add3A_1097 = arith.addf %add3A_1090, %mul3A_1096 : vector<128x128xf32>
    %mul3A_1098 = arith.constant 5.000000e-01 : f32
    %mul3A_1099 = vector.broadcast %mul3A_1098 : f32 to vector<128x128xf32>
    %mul3A_1100 = arith.mulf %mul3A_1099, %add3A_1097 : vector<128x128xf32>
    %tanh3A_1101 = math.tanh %mul3A_1100 : vector<128x128xf32>
    %mul3A_1102 = arith.constant 5.000000e-01 : f32
    %mul3A_1103 = vector.broadcast %mul3A_1102 : f32 to vector<128x128xf32>
    %mul3A_1104 = arith.mulf %mul3A_1103, %tanh3A_1101 : vector<128x128xf32>
    %add3A_1105 = arith.constant 5.000000e-01 : f32
    %add3A_1106 = vector.broadcast %add3A_1105 : f32 to vector<128x128xf32>
    %add3A_1107 = arith.addf %add3A_1106, %mul3A_1104 : vector<128x128xf32>
    %swap3A_1108 = arith.constant 5 : index
    %swap3A_1109 = arith.constant 2 : index
    %swap3A_1110 = arith.constant 0 : index
    %swap3A_1111 = arith.constant 0 : index
    %swap3A_1112 = vector.load %arg17[%swap3A_1108, %swap3A_1109, %swap3A_1110, %swap3A_1111] : memref<8x3x128x128xf32, #tpu.memory_space<vmem>>, vector<1x1x128x128xf32>
    %swap3A_1113 = vector.shape_cast %swap3A_1112 : vector<1x1x128x128xf32> to vector<128x128xf32>
    %swap3A_1114 = vector.shape_cast %add3A_1107 : vector<128x128xf32> to vector<1x1x128x128xf32>
    tpu.vector_store %arg17[%swap3A_1108, %swap3A_1109, %swap3A_1110, %swap3A_1111], %swap3A_1114 {strides = array<i32>} : memref<8x3x128x128xf32, #tpu.memory_space<vmem>>, vector<1x1x128x128xf32>,
    %mul3A_1115 = arith.constant 8 : i32
    %mul3A_1116 = arith.muli %arg0, %mul3A_1115 : i32
    %add3A_1117 = arith.constant 6 : i32
    %add3A_1118 = arith.addi %mul3A_1116, %add3A_1117 : i32
    %get3A_1119 = arith.index_cast %add3A_1118 : i32 to index
    %get3A_1120 = memref.load %arg1[%get3A_1119] : memref<64xi32, #tpu.memory_space<smem>>
    %get3A_1121 = arith.constant 0 : index
    %get3A_1122 = arith.index_cast %get3A_1120 : i32 to index
    %get3A_1123 = memref.load %arg4[%get3A_1121, %get3A_1122] : memref<1x512xf32, #tpu.memory_space<smem>>
    %get3A_1124 = arith.constant 6 : index
    %get3A_1125 = arith.constant 0 : index
    %get3A_1126 = arith.constant 0 : index
    %get3A_1127 = vector.load %arg2[%get3A_1124, %get3A_1125, %get3A_1126] : memref<8x128x128xf32, #tpu.memory_space<vmem>>, vector<1x128x128xf32>
    %get3A_1128 = vector.shape_cast %get3A_1127 : vector<1x128x128xf32> to vector<128x128xf32>
    %mul3A_1129 = arith.constant 5.000000e-01 : f32
    %mul3A_1130 = vector.broadcast %mul3A_1129 : f32 to vector<128x128xf32>
    %mul3A_1131 = arith.mulf %mul3A_1130, %get3A_1128 : vector<128x128xf32>
    %tanh3A_1132 = math.tanh %mul3A_1131 : vector<128x128xf32>
    %mul3A_1133 = arith.constant 5.000000e-01 : f32
    %mul3A_1134 = vector.broadcast %mul3A_1133 : f32 to vector<128x128xf32>
    %mul3A_1135 = arith.mulf %mul3A_1134, %tanh3A_1132 : vector<128x128xf32>
    %sub3A_1136 = arith.constant 5.000000e-01 : f32
    %sub3A_1137 = vector.broadcast %sub3A_1136 : f32 to vector<128x128xf32>
    %sub3A_1138 = arith.subf %sub3A_1137, %mul3A_1135 : vector<128x128xf32>
    %mul3A_1139 = arith.constant 5.000000e-01 : f32
    %mul3A_1140 = vector.broadcast %mul3A_1139 : f32 to vector<128x128xf32>
    %mul3A_1141 = arith.mulf %mul3A_1140, %tanh3A_1132 : vector<128x128xf32>
    %add3A_1142 = arith.constant 5.000000e-01 : f32
    %add3A_1143 = vector.broadcast %add3A_1142 : f32 to vector<128x128xf32>
    %add3A_1144 = arith.addf %add3A_1143, %mul3A_1141 : vector<128x128xf32>
    %get3A_1145 = arith.constant 6 : index
    %get3A_1146 = arith.constant 0 : index
    %get3A_1147 = arith.constant 0 : index
    %get3A_1148 = vector.load %arg3[%get3A_1145, %get3A_1146, %get3A_1147] : memref<8x128x128xf32, #tpu.memory_space<vmem>>, vector<1x128x128xf32>
    %get3A_1149 = vector.shape_cast %get3A_1148 : vector<1x128x128xf32> to vector<128x128xf32>
    %exp3A_1150 = math.exp %get3A_1149 : vector<128x128xf32>
    %get3A_1151 = arith.constant 6 : index
    %get3A_1152 = arith.constant 0 : index
    %get3A_1153 = arith.constant 0 : index
    %get3A_1154 = vector.load %arg15[%get3A_1151, %get3A_1152, %get3A_1153] : memref<8x128x128xf32, #tpu.memory_space<vmem>>, vector<1x128x128xf32>
    %get3A_1155 = vector.shape_cast %get3A_1154 : vector<1x128x128xf32> to vector<128x128xf32>
    %get3A_1156 = arith.constant 6 : index
    %get3A_1157 = arith.constant 0 : index
    %get3A_1158 = arith.constant 0 : index
    %get3A_1159 = vector.load %arg16[%get3A_1156, %get3A_1157, %get3A_1158] : memref<8x128x128xf32, #tpu.memory_space<vmem>>, vector<1x128x128xf32>
    %get3A_1160 = vector.shape_cast %get3A_1159 : vector<1x128x128xf32> to vector<128x128xf32>
    %get3A_1161 = arith.constant 0 : index
    %get3A_1162 = arith.constant 0 : index
    %get3A_1163 = arith.constant 0 : index
    %get3A_1164 = vector.load %arg13[%get3A_1161, %get3A_1162, %get3A_1163] : memref<3x128x128xf32, #tpu.memory_space<vmem>>, vector<1x128x128xf32>
    %get3A_1165 = vector.shape_cast %get3A_1164 : vector<1x128x128xf32> to vector<128x128xf32>
    %get3A_1166 = arith.constant 0 : index
    %get3A_1167 = arith.constant 0 : index
    %get3A_1168 = arith.constant 0 : index
    %get3A_1169 = arith.constant 0 : index
    %get3A_1170 = vector.load %arg14[%get3A_1166, %get3A_1167, %get3A_1168, %get3A_1169] : memref<1x3x128x128xf32, #tpu.memory_space<vmem>>, vector<1x1x128x128xf32>
    %get3A_1171 = vector.shape_cast %get3A_1170 : vector<1x1x128x128xf32> to vector<128x128xf32>
    %mul3A_1172 = vector.broadcast %get3A_1123 : f32 to vector<128x128xf32>
    %mul3A_1173 = arith.mulf %mul3A_1172, %get3A_1171 : vector<128x128xf32>
    %add3A_1174 = arith.addf %get3A_1165, %mul3A_1173 : vector<128x128xf32>
    %get3A_1175 = arith.constant 0 : index
    %get3A_1176 = arith.constant 0 : index
    %get3A_1177 = arith.constant 0 : index
    %get3A_1178 = arith.constant 0 : index
    %get3A_1179 = vector.load %arg11[%get3A_1175, %get3A_1176, %get3A_1177, %get3A_1178] : memref<1x3x128x128xf32, #tpu.memory_space<vmem>>, vector<1x1x128x128xf32>
    %get3A_1180 = vector.shape_cast %get3A_1179 : vector<1x1x128x128xf32> to vector<128x128xf32>
    %mul3A_1181 = arith.mulf %sub3A_1138, %add3A_1174 : vector<128x128xf32>
    %mul3A_1182 = arith.mulf %add3A_1144, %get3A_1180 : vector<128x128xf32>
    %add3A_1183 = arith.addf %mul3A_1181, %mul3A_1182 : vector<128x128xf32>
    %mul3A_1184 = arith.mulf %add3A_1174, %add3A_1174 : vector<128x128xf32>
    %mul3A_1185 = arith.mulf %mul3A_1184, %get3A_1155 : vector<128x128xf32>
    %mul3A_1186 = arith.mulf %get3A_1180, %get3A_1180 : vector<128x128xf32>
    %mul3A_1187 = arith.mulf %mul3A_1186, %get3A_1160 : vector<128x128xf32>
    %add3A_1188 = arith.addf %mul3A_1185, %mul3A_1187 : vector<128x128xf32>
    %mul3A_1189 = arith.mulf %exp3A_1150, %add3A_1188 : vector<128x128xf32>
    %add3A_1190 = arith.addf %add3A_1183, %mul3A_1189 : vector<128x128xf32>
    %mul3A_1191 = arith.constant 5.000000e-01 : f32
    %mul3A_1192 = vector.broadcast %mul3A_1191 : f32 to vector<128x128xf32>
    %mul3A_1193 = arith.mulf %mul3A_1192, %add3A_1190 : vector<128x128xf32>
    %tanh3A_1194 = math.tanh %mul3A_1193 : vector<128x128xf32>
    %mul3A_1195 = arith.constant 5.000000e-01 : f32
    %mul3A_1196 = vector.broadcast %mul3A_1195 : f32 to vector<128x128xf32>
    %mul3A_1197 = arith.mulf %mul3A_1196, %tanh3A_1194 : vector<128x128xf32>
    %add3A_1198 = arith.constant 5.000000e-01 : f32
    %add3A_1199 = vector.broadcast %add3A_1198 : f32 to vector<128x128xf32>
    %add3A_1200 = arith.addf %add3A_1199, %mul3A_1197 : vector<128x128xf32>
    %swap3A_1201 = arith.constant 6 : index
    %swap3A_1202 = arith.constant 0 : index
    %swap3A_1203 = arith.constant 0 : index
    %swap3A_1204 = arith.constant 0 : index
    %swap3A_1205 = vector.load %arg17[%swap3A_1201, %swap3A_1202, %swap3A_1203, %swap3A_1204] : memref<8x3x128x128xf32, #tpu.memory_space<vmem>>, vector<1x1x128x128xf32>
    %swap3A_1206 = vector.shape_cast %swap3A_1205 : vector<1x1x128x128xf32> to vector<128x128xf32>
    %swap3A_1207 = vector.shape_cast %add3A_1200 : vector<128x128xf32> to vector<1x1x128x128xf32>
    tpu.vector_store %arg17[%swap3A_1201, %swap3A_1202, %swap3A_1203, %swap3A_1204], %swap3A_1207 {strides = array<i32>} : memref<8x3x128x128xf32, #tpu.memory_space<vmem>>, vector<1x1x128x128xf32>,
    %get3A_1208 = arith.constant 1 : index
    %get3A_1209 = arith.constant 0 : index
    %get3A_1210 = arith.constant 0 : index
    %get3A_1211 = vector.load %arg13[%get3A_1208, %get3A_1209, %get3A_1210] : memref<3x128x128xf32, #tpu.memory_space<vmem>>, vector<1x128x128xf32>
    %get3A_1212 = vector.shape_cast %get3A_1211 : vector<1x128x128xf32> to vector<128x128xf32>
    %get3A_1213 = arith.constant 0 : index
    %get3A_1214 = arith.constant 1 : index
    %get3A_1215 = arith.constant 0 : index
    %get3A_1216 = arith.constant 0 : index
    %get3A_1217 = vector.load %arg14[%get3A_1213, %get3A_1214, %get3A_1215, %get3A_1216] : memref<1x3x128x128xf32, #tpu.memory_space<vmem>>, vector<1x1x128x128xf32>
    %get3A_1218 = vector.shape_cast %get3A_1217 : vector<1x1x128x128xf32> to vector<128x128xf32>
    %mul3A_1219 = vector.broadcast %get3A_1123 : f32 to vector<128x128xf32>
    %mul3A_1220 = arith.mulf %mul3A_1219, %get3A_1218 : vector<128x128xf32>
    %add3A_1221 = arith.addf %get3A_1212, %mul3A_1220 : vector<128x128xf32>
    %get3A_1222 = arith.constant 0 : index
    %get3A_1223 = arith.constant 1 : index
    %get3A_1224 = arith.constant 0 : index
    %get3A_1225 = arith.constant 0 : index
    %get3A_1226 = vector.load %arg11[%get3A_1222, %get3A_1223, %get3A_1224, %get3A_1225] : memref<1x3x128x128xf32, #tpu.memory_space<vmem>>, vector<1x1x128x128xf32>
    %get3A_1227 = vector.shape_cast %get3A_1226 : vector<1x1x128x128xf32> to vector<128x128xf32>
    %mul3A_1228 = arith.mulf %sub3A_1138, %add3A_1221 : vector<128x128xf32>
    %mul3A_1229 = arith.mulf %add3A_1144, %get3A_1227 : vector<128x128xf32>
    %add3A_1230 = arith.addf %mul3A_1228, %mul3A_1229 : vector<128x128xf32>
    %mul3A_1231 = arith.mulf %add3A_1221, %add3A_1221 : vector<128x128xf32>
    %mul3A_1232 = arith.mulf %mul3A_1231, %get3A_1155 : vector<128x128xf32>
    %mul3A_1233 = arith.mulf %get3A_1227, %get3A_1227 : vector<128x128xf32>
    %mul3A_1234 = arith.mulf %mul3A_1233, %get3A_1160 : vector<128x128xf32>
    %add3A_1235 = arith.addf %mul3A_1232, %mul3A_1234 : vector<128x128xf32>
    %mul3A_1236 = arith.mulf %exp3A_1150, %add3A_1235 : vector<128x128xf32>
    %add3A_1237 = arith.addf %add3A_1230, %mul3A_1236 : vector<128x128xf32>
    %mul3A_1238 = arith.constant 5.000000e-01 : f32
    %mul3A_1239 = vector.broadcast %mul3A_1238 : f32 to vector<128x128xf32>
    %mul3A_1240 = arith.mulf %mul3A_1239, %add3A_1237 : vector<128x128xf32>
    %tanh3A_1241 = math.tanh %mul3A_1240 : vector<128x128xf32>
    %mul3A_1242 = arith.constant 5.000000e-01 : f32
    %mul3A_1243 = vector.broadcast %mul3A_1242 : f32 to vector<128x128xf32>
    %mul3A_1244 = arith.mulf %mul3A_1243, %tanh3A_1241 : vector<128x128xf32>
    %add3A_1245 = arith.constant 5.000000e-01 : f32
    %add3A_1246 = vector.broadcast %add3A_1245 : f32 to vector<128x128xf32>
    %add3A_1247 = arith.addf %add3A_1246, %mul3A_1244 : vector<128x128xf32>
    %swap3A_1248 = arith.constant 6 : index
    %swap3A_1249 = arith.constant 1 : index
    %swap3A_1250 = arith.constant 0 : index
    %swap3A_1251 = arith.constant 0 : index
    %swap3A_1252 = vector.load %arg17[%swap3A_1248, %swap3A_1249, %swap3A_1250, %swap3A_1251] : memref<8x3x128x128xf32, #tpu.memory_space<vmem>>, vector<1x1x128x128xf32>
    %swap3A_1253 = vector.shape_cast %swap3A_1252 : vector<1x1x128x128xf32> to vector<128x128xf32>
    %swap3A_1254 = vector.shape_cast %add3A_1247 : vector<128x128xf32> to vector<1x1x128x128xf32>
    tpu.vector_store %arg17[%swap3A_1248, %swap3A_1249, %swap3A_1250, %swap3A_1251], %swap3A_1254 {strides = array<i32>} : memref<8x3x128x128xf32, #tpu.memory_space<vmem>>, vector<1x1x128x128xf32>,
    %get3A_1255 = arith.constant 2 : index
    %get3A_1256 = arith.constant 0 : index
    %get3A_1257 = arith.constant 0 : index
    %get3A_1258 = vector.load %arg13[%get3A_1255, %get3A_1256, %get3A_1257] : memref<3x128x128xf32, #tpu.memory_space<vmem>>, vector<1x128x128xf32>
    %get3A_1259 = vector.shape_cast %get3A_1258 : vector<1x128x128xf32> to vector<128x128xf32>
    %get3A_1260 = arith.constant 0 : index
    %get3A_1261 = arith.constant 2 : index
    %get3A_1262 = arith.constant 0 : index
    %get3A_1263 = arith.constant 0 : index
    %get3A_1264 = vector.load %arg14[%get3A_1260, %get3A_1261, %get3A_1262, %get3A_1263] : memref<1x3x128x128xf32, #tpu.memory_space<vmem>>, vector<1x1x128x128xf32>
    %get3A_1265 = vector.shape_cast %get3A_1264 : vector<1x1x128x128xf32> to vector<128x128xf32>
    %mul3A_1266 = vector.broadcast %get3A_1123 : f32 to vector<128x128xf32>
    %mul3A_1267 = arith.mulf %mul3A_1266, %get3A_1265 : vector<128x128xf32>
    %add3A_1268 = arith.addf %get3A_1259, %mul3A_1267 : vector<128x128xf32>
    %get3A_1269 = arith.constant 0 : index
    %get3A_1270 = arith.constant 2 : index
    %get3A_1271 = arith.constant 0 : index
    %get3A_1272 = arith.constant 0 : index
    %get3A_1273 = vector.load %arg11[%get3A_1269, %get3A_1270, %get3A_1271, %get3A_1272] : memref<1x3x128x128xf32, #tpu.memory_space<vmem>>, vector<1x1x128x128xf32>
    %get3A_1274 = vector.shape_cast %get3A_1273 : vector<1x1x128x128xf32> to vector<128x128xf32>
    %mul3A_1275 = arith.mulf %sub3A_1138, %add3A_1268 : vector<128x128xf32>
    %mul3A_1276 = arith.mulf %add3A_1144, %get3A_1274 : vector<128x128xf32>
    %add3A_1277 = arith.addf %mul3A_1275, %mul3A_1276 : vector<128x128xf32>
    %mul3A_1278 = arith.mulf %add3A_1268, %add3A_1268 : vector<128x128xf32>
    %mul3A_1279 = arith.mulf %mul3A_1278, %get3A_1155 : vector<128x128xf32>
    %mul3A_1280 = arith.mulf %get3A_1274, %get3A_1274 : vector<128x128xf32>
    %mul3A_1281 = arith.mulf %mul3A_1280, %get3A_1160 : vector<128x128xf32>
    %add3A_1282 = arith.addf %mul3A_1279, %mul3A_1281 : vector<128x128xf32>
    %mul3A_1283 = arith.mulf %exp3A_1150, %add3A_1282 : vector<128x128xf32>
    %add3A_1284 = arith.addf %add3A_1277, %mul3A_1283 : vector<128x128xf32>
    %mul3A_1285 = arith.constant 5.000000e-01 : f32
    %mul3A_1286 = vector.broadcast %mul3A_1285 : f32 to vector<128x128xf32>
    %mul3A_1287 = arith.mulf %mul3A_1286, %add3A_1284 : vector<128x128xf32>
    %tanh3A_1288 = math.tanh %mul3A_1287 : vector<128x128xf32>
    %mul3A_1289 = arith.constant 5.000000e-01 : f32
    %mul3A_1290 = vector.broadcast %mul3A_1289 : f32 to vector<128x128xf32>
    %mul3A_1291 = arith.mulf %mul3A_1290, %tanh3A_1288 : vector<128x128xf32>
    %add3A_1292 = arith.constant 5.000000e-01 : f32
    %add3A_1293 = vector.broadcast %add3A_1292 : f32 to vector<128x128xf32>
    %add3A_1294 = arith.addf %add3A_1293, %mul3A_1291 : vector<128x128xf32>
    %swap3A_1295 = arith.constant 6 : index
    %swap3A_1296 = arith.constant 2 : index
    %swap3A_1297 = arith.constant 0 : index
    %swap3A_1298 = arith.constant 0 : index
    %swap3A_1299 = vector.load %arg17[%swap3A_1295, %swap3A_1296, %swap3A_1297, %swap3A_1298] : memref<8x3x128x128xf32, #tpu.memory_space<vmem>>, vector<1x1x128x128xf32>
    %swap3A_1300 = vector.shape_cast %swap3A_1299 : vector<1x1x128x128xf32> to vector<128x128xf32>
    %swap3A_1301 = vector.shape_cast %add3A_1294 : vector<128x128xf32> to vector<1x1x128x128xf32>
    tpu.vector_store %arg17[%swap3A_1295, %swap3A_1296, %swap3A_1297, %swap3A_1298], %swap3A_1301 {strides = array<i32>} : memref<8x3x128x128xf32, #tpu.memory_space<vmem>>, vector<1x1x128x128xf32>,
    %mul3A_1302 = arith.constant 8 : i32
    %mul3A_1303 = arith.muli %arg0, %mul3A_1302 : i32
    %add3A_1304 = arith.constant 7 : i32
    %add3A_1305 = arith.addi %mul3A_1303, %add3A_1304 : i32
    %get3A_1306 = arith.index_cast %add3A_1305 : i32 to index
    %get3A_1307 = memref.load %arg1[%get3A_1306] : memref<64xi32, #tpu.memory_space<smem>>
    %get3A_1308 = arith.constant 0 : index
    %get3A_1309 = arith.index_cast %get3A_1307 : i32 to index
    %get3A_1310 = memref.load %arg4[%get3A_1308, %get3A_1309] : memref<1x512xf32, #tpu.memory_space<smem>>
    %get3A_1311 = arith.constant 7 : index
    %get3A_1312 = arith.constant 0 : index
    %get3A_1313 = arith.constant 0 : index
    %get3A_1314 = vector.load %arg2[%get3A_1311, %get3A_1312, %get3A_1313] : memref<8x128x128xf32, #tpu.memory_space<vmem>>, vector<1x128x128xf32>
    %get3A_1315 = vector.shape_cast %get3A_1314 : vector<1x128x128xf32> to vector<128x128xf32>
    %mul3A_1316 = arith.constant 5.000000e-01 : f32
    %mul3A_1317 = vector.broadcast %mul3A_1316 : f32 to vector<128x128xf32>
    %mul3A_1318 = arith.mulf %mul3A_1317, %get3A_1315 : vector<128x128xf32>
    %tanh3A_1319 = math.tanh %mul3A_1318 : vector<128x128xf32>
    %mul3A_1320 = arith.constant 5.000000e-01 : f32
    %mul3A_1321 = vector.broadcast %mul3A_1320 : f32 to vector<128x128xf32>
    %mul3A_1322 = arith.mulf %mul3A_1321, %tanh3A_1319 : vector<128x128xf32>
    %sub3A_1323 = arith.constant 5.000000e-01 : f32
    %sub3A_1324 = vector.broadcast %sub3A_1323 : f32 to vector<128x128xf32>
    %sub3A_1325 = arith.subf %sub3A_1324, %mul3A_1322 : vector<128x128xf32>
    %mul3A_1326 = arith.constant 5.000000e-01 : f32
    %mul3A_1327 = vector.broadcast %mul3A_1326 : f32 to vector<128x128xf32>
    %mul3A_1328 = arith.mulf %mul3A_1327, %tanh3A_1319 : vector<128x128xf32>
    %add3A_1329 = arith.constant 5.000000e-01 : f32
    %add3A_1330 = vector.broadcast %add3A_1329 : f32 to vector<128x128xf32>
    %add3A_1331 = arith.addf %add3A_1330, %mul3A_1328 : vector<128x128xf32>
    %get3A_1332 = arith.constant 7 : index
    %get3A_1333 = arith.constant 0 : index
    %get3A_1334 = arith.constant 0 : index
    %get3A_1335 = vector.load %arg3[%get3A_1332, %get3A_1333, %get3A_1334] : memref<8x128x128xf32, #tpu.memory_space<vmem>>, vector<1x128x128xf32>
    %get3A_1336 = vector.shape_cast %get3A_1335 : vector<1x128x128xf32> to vector<128x128xf32>
    %exp3A_1337 = math.exp %get3A_1336 : vector<128x128xf32>
    %get3A_1338 = arith.constant 7 : index
    %get3A_1339 = arith.constant 0 : index
    %get3A_1340 = arith.constant 0 : index
    %get3A_1341 = vector.load %arg15[%get3A_1338, %get3A_1339, %get3A_1340] : memref<8x128x128xf32, #tpu.memory_space<vmem>>, vector<1x128x128xf32>
    %get3A_1342 = vector.shape_cast %get3A_1341 : vector<1x128x128xf32> to vector<128x128xf32>
    %get3A_1343 = arith.constant 7 : index
    %get3A_1344 = arith.constant 0 : index
    %get3A_1345 = arith.constant 0 : index
    %get3A_1346 = vector.load %arg16[%get3A_1343, %get3A_1344, %get3A_1345] : memref<8x128x128xf32, #tpu.memory_space<vmem>>, vector<1x128x128xf32>
    %get3A_1347 = vector.shape_cast %get3A_1346 : vector<1x128x128xf32> to vector<128x128xf32>
    %get3A_1348 = arith.constant 0 : index
    %get3A_1349 = arith.constant 0 : index
    %get3A_1350 = arith.constant 0 : index
    %get3A_1351 = vector.load %arg13[%get3A_1348, %get3A_1349, %get3A_1350] : memref<3x128x128xf32, #tpu.memory_space<vmem>>, vector<1x128x128xf32>
    %get3A_1352 = vector.shape_cast %get3A_1351 : vector<1x128x128xf32> to vector<128x128xf32>
    %get3A_1353 = arith.constant 0 : index
    %get3A_1354 = arith.constant 0 : index
    %get3A_1355 = arith.constant 0 : index
    %get3A_1356 = arith.constant 0 : index
    %get3A_1357 = vector.load %arg14[%get3A_1353, %get3A_1354, %get3A_1355, %get3A_1356] : memref<1x3x128x128xf32, #tpu.memory_space<vmem>>, vector<1x1x128x128xf32>
    %get3A_1358 = vector.shape_cast %get3A_1357 : vector<1x1x128x128xf32> to vector<128x128xf32>
    %mul3A_1359 = vector.broadcast %get3A_1310 : f32 to vector<128x128xf32>
    %mul3A_1360 = arith.mulf %mul3A_1359, %get3A_1358 : vector<128x128xf32>
    %add3A_1361 = arith.addf %get3A_1352, %mul3A_1360 : vector<128x128xf32>
    %get3A_1362 = arith.constant 0 : index
    %get3A_1363 = arith.constant 0 : index
    %get3A_1364 = arith.constant 0 : index
    %get3A_1365 = arith.constant 0 : index
    %get3A_1366 = vector.load %arg12[%get3A_1362, %get3A_1363, %get3A_1364, %get3A_1365] : memref<1x3x128x128xf32, #tpu.memory_space<vmem>>, vector<1x1x128x128xf32>
    %get3A_1367 = vector.shape_cast %get3A_1366 : vector<1x1x128x128xf32> to vector<128x128xf32>
    %mul3A_1368 = arith.mulf %sub3A_1325, %add3A_1361 : vector<128x128xf32>
    %mul3A_1369 = arith.mulf %add3A_1331, %get3A_1367 : vector<128x128xf32>
    %add3A_1370 = arith.addf %mul3A_1368, %mul3A_1369 : vector<128x128xf32>
    %mul3A_1371 = arith.mulf %add3A_1361, %add3A_1361 : vector<128x128xf32>
    %mul3A_1372 = arith.mulf %mul3A_1371, %get3A_1342 : vector<128x128xf32>
    %mul3A_1373 = arith.mulf %get3A_1367, %get3A_1367 : vector<128x128xf32>
    %mul3A_1374 = arith.mulf %mul3A_1373, %get3A_1347 : vector<128x128xf32>
    %add3A_1375 = arith.addf %mul3A_1372, %mul3A_1374 : vector<128x128xf32>
    %mul3A_1376 = arith.mulf %exp3A_1337, %add3A_1375 : vector<128x128xf32>
    %add3A_1377 = arith.addf %add3A_1370, %mul3A_1376 : vector<128x128xf32>
    %mul3A_1378 = arith.constant 5.000000e-01 : f32
    %mul3A_1379 = vector.broadcast %mul3A_1378 : f32 to vector<128x128xf32>
    %mul3A_1380 = arith.mulf %mul3A_1379, %add3A_1377 : vector<128x128xf32>
    %tanh3A_1381 = math.tanh %mul3A_1380 : vector<128x128xf32>
    %mul3A_1382 = arith.constant 5.000000e-01 : f32
    %mul3A_1383 = vector.broadcast %mul3A_1382 : f32 to vector<128x128xf32>
    %mul3A_1384 = arith.mulf %mul3A_1383, %tanh3A_1381 : vector<128x128xf32>
    %add3A_1385 = arith.constant 5.000000e-01 : f32
    %add3A_1386 = vector.broadcast %add3A_1385 : f32 to vector<128x128xf32>
    %add3A_1387 = arith.addf %add3A_1386, %mul3A_1384 : vector<128x128xf32>
    %swap3A_1388 = arith.constant 7 : index
    %swap3A_1389 = arith.constant 0 : index
    %swap3A_1390 = arith.constant 0 : index
    %swap3A_1391 = arith.constant 0 : index
    %swap3A_1392 = vector.load %arg17[%swap3A_1388, %swap3A_1389, %swap3A_1390, %swap3A_1391] : memref<8x3x128x128xf32, #tpu.memory_space<vmem>>, vector<1x1x128x128xf32>
    %swap3A_1393 = vector.shape_cast %swap3A_1392 : vector<1x1x128x128xf32> to vector<128x128xf32>
    %swap3A_1394 = vector.shape_cast %add3A_1387 : vector<128x128xf32> to vector<1x1x128x128xf32>
    tpu.vector_store %arg17[%swap3A_1388, %swap3A_1389, %swap3A_1390, %swap3A_1391], %swap3A_1394 {strides = array<i32>} : memref<8x3x128x128xf32, #tpu.memory_space<vmem>>, vector<1x1x128x128xf32>,
    %get3A_1395 = arith.constant 1 : index
    %get3A_1396 = arith.constant 0 : index
    %get3A_1397 = arith.constant 0 : index
    %get3A_1398 = vector.load %arg13[%get3A_1395, %get3A_1396, %get3A_1397] : memref<3x128x128xf32, #tpu.memory_space<vmem>>, vector<1x128x128xf32>
    %get3A_1399 = vector.shape_cast %get3A_1398 : vector<1x128x128xf32> to vector<128x128xf32>
    %get3A_1400 = arith.constant 0 : index
    %get3A_1401 = arith.constant 1 : index
    %get3A_1402 = arith.constant 0 : index
    %get3A_1403 = arith.constant 0 : index
    %get3A_1404 = vector.load %arg14[%get3A_1400, %get3A_1401, %get3A_1402, %get3A_1403] : memref<1x3x128x128xf32, #tpu.memory_space<vmem>>, vector<1x1x128x128xf32>
    %get3A_1405 = vector.shape_cast %get3A_1404 : vector<1x1x128x128xf32> to vector<128x128xf32>
    %mul3A_1406 = vector.broadcast %get3A_1310 : f32 to vector<128x128xf32>
    %mul3A_1407 = arith.mulf %mul3A_1406, %get3A_1405 : vector<128x128xf32>
    %add3A_1408 = arith.addf %get3A_1399, %mul3A_1407 : vector<128x128xf32>
    %get3A_1409 = arith.constant 0 : index
    %get3A_1410 = arith.constant 1 : index
    %get3A_1411 = arith.constant 0 : index
    %get3A_1412 = arith.constant 0 : index
    %get3A_1413 = vector.load %arg12[%get3A_1409, %get3A_1410, %get3A_1411, %get3A_1412] : memref<1x3x128x128xf32, #tpu.memory_space<vmem>>, vector<1x1x128x128xf32>
    %get3A_1414 = vector.shape_cast %get3A_1413 : vector<1x1x128x128xf32> to vector<128x128xf32>
    %mul3A_1415 = arith.mulf %sub3A_1325, %add3A_1408 : vector<128x128xf32>
    %mul3A_1416 = arith.mulf %add3A_1331, %get3A_1414 : vector<128x128xf32>
    %add3A_1417 = arith.addf %mul3A_1415, %mul3A_1416 : vector<128x128xf32>
    %mul3A_1418 = arith.mulf %add3A_1408, %add3A_1408 : vector<128x128xf32>
    %mul3A_1419 = arith.mulf %mul3A_1418, %get3A_1342 : vector<128x128xf32>
    %mul3A_1420 = arith.mulf %get3A_1414, %get3A_1414 : vector<128x128xf32>
    %mul3A_1421 = arith.mulf %mul3A_1420, %get3A_1347 : vector<128x128xf32>
    %add3A_1422 = arith.addf %mul3A_1419, %mul3A_1421 : vector<128x128xf32>
    %mul3A_1423 = arith.mulf %exp3A_1337, %add3A_1422 : vector<128x128xf32>
    %add3A_1424 = arith.addf %add3A_1417, %mul3A_1423 : vector<128x128xf32>
    %mul3A_1425 = arith.constant 5.000000e-01 : f32
    %mul3A_1426 = vector.broadcast %mul3A_1425 : f32 to vector<128x128xf32>
    %mul3A_1427 = arith.mulf %mul3A_1426, %add3A_1424 : vector<128x128xf32>
    %tanh3A_1428 = math.tanh %mul3A_1427 : vector<128x128xf32>
    %mul3A_1429 = arith.constant 5.000000e-01 : f32
    %mul3A_1430 = vector.broadcast %mul3A_1429 : f32 to vector<128x128xf32>
    %mul3A_1431 = arith.mulf %mul3A_1430, %tanh3A_1428 : vector<128x128xf32>
    %add3A_1432 = arith.constant 5.000000e-01 : f32
    %add3A_1433 = vector.broadcast %add3A_1432 : f32 to vector<128x128xf32>
    %add3A_1434 = arith.addf %add3A_1433, %mul3A_1431 : vector<128x128xf32>
    %swap3A_1435 = arith.constant 7 : index
    %swap3A_1436 = arith.constant 1 : index
    %swap3A_1437 = arith.constant 0 : index
    %swap3A_1438 = arith.constant 0 : index
    %swap3A_1439 = vector.load %arg17[%swap3A_1435, %swap3A_1436, %swap3A_1437, %swap3A_1438] : memref<8x3x128x128xf32, #tpu.memory_space<vmem>>, vector<1x1x128x128xf32>
    %swap3A_1440 = vector.shape_cast %swap3A_1439 : vector<1x1x128x128xf32> to vector<128x128xf32>
    %swap3A_1441 = vector.shape_cast %add3A_1434 : vector<128x128xf32> to vector<1x1x128x128xf32>
    tpu.vector_store %arg17[%swap3A_1435, %swap3A_1436, %swap3A_1437, %swap3A_1438], %swap3A_1441 {strides = array<i32>} : memref<8x3x128x128xf32, #tpu.memory_space<vmem>>, vector<1x1x128x128xf32>,
    %get3A_1442 = arith.constant 2 : index
    %get3A_1443 = arith.constant 0 : index
    %get3A_1444 = arith.constant 0 : index
    %get3A_1445 = vector.load %arg13[%get3A_1442, %get3A_1443, %get3A_1444] : memref<3x128x128xf32, #tpu.memory_space<vmem>>, vector<1x128x128xf32>
    %get3A_1446 = vector.shape_cast %get3A_1445 : vector<1x128x128xf32> to vector<128x128xf32>
    %get3A_1447 = arith.constant 0 : index
    %get3A_1448 = arith.constant 2 : index
    %get3A_1449 = arith.constant 0 : index
    %get3A_1450 = arith.constant 0 : index
    %get3A_1451 = vector.load %arg14[%get3A_1447, %get3A_1448, %get3A_1449, %get3A_1450] : memref<1x3x128x128xf32, #tpu.memory_space<vmem>>, vector<1x1x128x128xf32>
    %get3A_1452 = vector.shape_cast %get3A_1451 : vector<1x1x128x128xf32> to vector<128x128xf32>
    %mul3A_1453 = vector.broadcast %get3A_1310 : f32 to vector<128x128xf32>
    %mul3A_1454 = arith.mulf %mul3A_1453, %get3A_1452 : vector<128x128xf32>
    %add3A_1455 = arith.addf %get3A_1446, %mul3A_1454 : vector<128x128xf32>
    %get3A_1456 = arith.constant 0 : index
    %get3A_1457 = arith.constant 2 : index
    %get3A_1458 = arith.constant 0 : index
    %get3A_1459 = arith.constant 0 : index
    %get3A_1460 = vector.load %arg12[%get3A_1456, %get3A_1457, %get3A_1458, %get3A_1459] : memref<1x3x128x128xf32, #tpu.memory_space<vmem>>, vector<1x1x128x128xf32>
    %get3A_1461 = vector.shape_cast %get3A_1460 : vector<1x1x128x128xf32> to vector<128x128xf32>
    %mul3A_1462 = arith.mulf %sub3A_1325, %add3A_1455 : vector<128x128xf32>
    %mul3A_1463 = arith.mulf %add3A_1331, %get3A_1461 : vector<128x128xf32>
    %add3A_1464 = arith.addf %mul3A_1462, %mul3A_1463 : vector<128x128xf32>
    %mul3A_1465 = arith.mulf %add3A_1455, %add3A_1455 : vector<128x128xf32>
    %mul3A_1466 = arith.mulf %mul3A_1465, %get3A_1342 : vector<128x128xf32>
    %mul3A_1467 = arith.mulf %get3A_1461, %get3A_1461 : vector<128x128xf32>
    %mul3A_1468 = arith.mulf %mul3A_1467, %get3A_1347 : vector<128x128xf32>
    %add3A_1469 = arith.addf %mul3A_1466, %mul3A_1468 : vector<128x128xf32>
    %mul3A_1470 = arith.mulf %exp3A_1337, %add3A_1469 : vector<128x128xf32>
    %add3A_1471 = arith.addf %add3A_1464, %mul3A_1470 : vector<128x128xf32>
    %mul3A_1472 = arith.constant 5.000000e-01 : f32
    %mul3A_1473 = vector.broadcast %mul3A_1472 : f32 to vector<128x128xf32>
    %mul3A_1474 = arith.mulf %mul3A_1473, %add3A_1471 : vector<128x128xf32>
    %tanh3A_1475 = math.tanh %mul3A_1474 : vector<128x128xf32>
    %mul3A_1476 = arith.constant 5.000000e-01 : f32
    %mul3A_1477 = vector.broadcast %mul3A_1476 : f32 to vector<128x128xf32>
    %mul3A_1478 = arith.mulf %mul3A_1477, %tanh3A_1475 : vector<128x128xf32>
    %add3A_1479 = arith.constant 5.000000e-01 : f32
    %add3A_1480 = vector.broadcast %add3A_1479 : f32 to vector<128x128xf32>
    %add3A_1481 = arith.addf %add3A_1480, %mul3A_1478 : vector<128x128xf32>
    %swap3A_1482 = arith.constant 7 : index
    %swap3A_1483 = arith.constant 2 : index
    %swap3A_1484 = arith.constant 0 : index
    %swap3A_1485 = arith.constant 0 : index
    %swap3A_1486 = vector.load %arg17[%swap3A_1482, %swap3A_1483, %swap3A_1484, %swap3A_1485] : memref<8x3x128x128xf32, #tpu.memory_space<vmem>>, vector<1x1x128x128xf32>
    %swap3A_1487 = vector.shape_cast %swap3A_1486 : vector<1x1x128x128xf32> to vector<128x128xf32>
    %swap3A_1488 = vector.shape_cast %add3A_1481 : vector<128x128xf32> to vector<1x1x128x128xf32>
    tpu.vector_store %arg17[%swap3A_1482, %swap3A_1483, %swap3A_1484, %swap3A_1485], %swap3A_1488 {strides = array<i32>} : memref<8x3x128x128xf32, #tpu.memory_space<vmem>>, vector<1x1x128x128xf32>,
    return
  }
  func.func @transform_0(%arg0: i32, %arg1: memref<64xi32, #tpu.memory_space<smem>>) -> (i32, i32, i32) {
    %c0_i32 = arith.constant 0 : i32
    %c0_i32_0 = arith.constant 0 : i32
    %c0_i32_1 = arith.constant 0 : i32
    return %arg0, %c0_i32, %c0_i32_0 : i32, i32, i32
  }
  func.func @transform_1(%arg0: i32, %arg1: memref<64xi32, #tpu.memory_space<smem>>) -> (i32, i32, i32) {
    %c0_i32 = arith.constant 0 : i32
    %c0_i32_0 = arith.constant 0 : i32
    %c0_i32_1 = arith.constant 0 : i32
    return %arg0, %c0_i32, %c0_i32_0 : i32, i32, i32
  }
  func.func @transform_2(%arg0: i32, %arg1: memref<64xi32, #tpu.memory_space<smem>>) -> (i32, i32) {
    %c0_i32 = arith.constant 0 : i32
    %c0_i32_0 = arith.constant 0 : i32
    %c0_i32_1 = arith.constant 0 : i32
    return %c0_i32, %c0_i32_0 : i32, i32
  }
  func.func @transform_3(%arg0: i32, %arg1: memref<64xi32, #tpu.memory_space<smem>>) -> (i32, i32, i32, i32) {
    %mul3A = arith.constant 8 : i32
    %mul3A_0 = arith.muli %arg0, %mul3A : i32
    %add3A = arith.constant 0 : i32
    %add3A_1 = arith.addi %mul3A_0, %add3A : i32
    %get3A = arith.index_cast %add3A_1 : i32 to index
    %get3A_2 = memref.load %arg1[%get3A] : memref<64xi32, #tpu.memory_space<smem>>
    %c0_i32 = arith.constant 0 : i32
    %c0_i32_3 = arith.constant 0 : i32
    %c0_i32_4 = arith.constant 0 : i32
    %c0_i32_5 = arith.constant 0 : i32
    return %get3A_2, %c0_i32, %c0_i32_3, %c0_i32_4 : i32, i32, i32, i32
  }
  func.func @transform_4(%arg0: i32, %arg1: memref<64xi32, #tpu.memory_space<smem>>) -> (i32, i32, i32, i32) {
    %mul3A = arith.constant 8 : i32
    %mul3A_0 = arith.muli %arg0, %mul3A : i32
    %add3A = arith.constant 1 : i32
    %add3A_1 = arith.addi %mul3A_0, %add3A : i32
    %get3A = arith.index_cast %add3A_1 : i32 to index
    %get3A_2 = memref.load %arg1[%get3A] : memref<64xi32, #tpu.memory_space<smem>>
    %c0_i32 = arith.constant 0 : i32
    %c0_i32_3 = arith.constant 0 : i32
    %c0_i32_4 = arith.constant 0 : i32
    %c0_i32_5 = arith.constant 0 : i32
    return %get3A_2, %c0_i32, %c0_i32_3, %c0_i32_4 : i32, i32, i32, i32
  }
  func.func @transform_5(%arg0: i32, %arg1: memref<64xi32, #tpu.memory_space<smem>>) -> (i32, i32, i32, i32) {
    %mul3A = arith.constant 8 : i32
    %mul3A_0 = arith.muli %arg0, %mul3A : i32
    %add3A = arith.constant 2 : i32
    %add3A_1 = arith.addi %mul3A_0, %add3A : i32
    %get3A = arith.index_cast %add3A_1 : i32 to index
    %get3A_2 = memref.load %arg1[%get3A] : memref<64xi32, #tpu.memory_space<smem>>
    %c0_i32 = arith.constant 0 : i32
    %c0_i32_3 = arith.constant 0 : i32
    %c0_i32_4 = arith.constant 0 : i32
    %c0_i32_5 = arith.constant 0 : i32
    return %get3A_2, %c0_i32, %c0_i32_3, %c0_i32_4 : i32, i32, i32, i32
  }
  func.func @transform_6(%arg0: i32, %arg1: memref<64xi32, #tpu.memory_space<smem>>) -> (i32, i32, i32, i32) {
    %mul3A = arith.constant 8 : i32
    %mul3A_0 = arith.muli %arg0, %mul3A : i32
    %add3A = arith.constant 3 : i32
    %add3A_1 = arith.addi %mul3A_0, %add3A : i32
    %get3A = arith.index_cast %add3A_1 : i32 to index
    %get3A_2 = memref.load %arg1[%get3A] : memref<64xi32, #tpu.memory_space<smem>>
    %c0_i32 = arith.constant 0 : i32
    %c0_i32_3 = arith.constant 0 : i32
    %c0_i32_4 = arith.constant 0 : i32
    %c0_i32_5 = arith.constant 0 : i32
    return %get3A_2, %c0_i32, %c0_i32_3, %c0_i32_4 : i32, i32, i32, i32
  }
  func.func @transform_7(%arg0: i32, %arg1: memref<64xi32, #tpu.memory_space<smem>>) -> (i32, i32, i32, i32) {
    %mul3A = arith.constant 8 : i32
    %mul3A_0 = arith.muli %arg0, %mul3A : i32
    %add3A = arith.constant 4 : i32
    %add3A_1 = arith.addi %mul3A_0, %add3A : i32
    %get3A = arith.index_cast %add3A_1 : i32 to index
    %get3A_2 = memref.load %arg1[%get3A] : memref<64xi32, #tpu.memory_space<smem>>
    %c0_i32 = arith.constant 0 : i32
    %c0_i32_3 = arith.constant 0 : i32
    %c0_i32_4 = arith.constant 0 : i32
    %c0_i32_5 = arith.constant 0 : i32
    return %get3A_2, %c0_i32, %c0_i32_3, %c0_i32_4 : i32, i32, i32, i32
  }
  func.func @transform_8(%arg0: i32, %arg1: memref<64xi32, #tpu.memory_space<smem>>) -> (i32, i32, i32, i32) {
    %mul3A = arith.constant 8 : i32
    %mul3A_0 = arith.muli %arg0, %mul3A : i32
    %add3A = arith.constant 5 : i32
    %add3A_1 = arith.addi %mul3A_0, %add3A : i32
    %get3A = arith.index_cast %add3A_1 : i32 to index
    %get3A_2 = memref.load %arg1[%get3A] : memref<64xi32, #tpu.memory_space<smem>>
    %c0_i32 = arith.constant 0 : i32
    %c0_i32_3 = arith.constant 0 : i32
    %c0_i32_4 = arith.constant 0 : i32
    %c0_i32_5 = arith.constant 0 : i32
    return %get3A_2, %c0_i32, %c0_i32_3, %c0_i32_4 : i32, i32, i32, i32
  }
  func.func @transform_9(%arg0: i32, %arg1: memref<64xi32, #tpu.memory_space<smem>>) -> (i32, i32, i32, i32) {
    %mul3A = arith.constant 8 : i32
    %mul3A_0 = arith.muli %arg0, %mul3A : i32
    %add3A = arith.constant 6 : i32
    %add3A_1 = arith.addi %mul3A_0, %add3A : i32
    %get3A = arith.index_cast %add3A_1 : i32 to index
    %get3A_2 = memref.load %arg1[%get3A] : memref<64xi32, #tpu.memory_space<smem>>
    %c0_i32 = arith.constant 0 : i32
    %c0_i32_3 = arith.constant 0 : i32
    %c0_i32_4 = arith.constant 0 : i32
    %c0_i32_5 = arith.constant 0 : i32
    return %get3A_2, %c0_i32, %c0_i32_3, %c0_i32_4 : i32, i32, i32, i32
  }
  func.func @transform_10(%arg0: i32, %arg1: memref<64xi32, #tpu.memory_space<smem>>) -> (i32, i32, i32, i32) {
    %mul3A = arith.constant 8 : i32
    %mul3A_0 = arith.muli %arg0, %mul3A : i32
    %add3A = arith.constant 7 : i32
    %add3A_1 = arith.addi %mul3A_0, %add3A : i32
    %get3A = arith.index_cast %add3A_1 : i32 to index
    %get3A_2 = memref.load %arg1[%get3A] : memref<64xi32, #tpu.memory_space<smem>>
    %c0_i32 = arith.constant 0 : i32
    %c0_i32_3 = arith.constant 0 : i32
    %c0_i32_4 = arith.constant 0 : i32
    %c0_i32_5 = arith.constant 0 : i32
    return %get3A_2, %c0_i32, %c0_i32_3, %c0_i32_4 : i32, i32, i32, i32
  }
  func.func @transform_11(%arg0: i32, %arg1: memref<64xi32, #tpu.memory_space<smem>>) -> (i32, i32, i32) {
    %c0_i32 = arith.constant 0 : i32
    %c0_i32_0 = arith.constant 0 : i32
    %c0_i32_1 = arith.constant 0 : i32
    %c0_i32_2 = arith.constant 0 : i32
    return %c0_i32, %c0_i32_0, %c0_i32_1 : i32, i32, i32
  }
  func.func @transform_12(%arg0: i32, %arg1: memref<64xi32, #tpu.memory_space<smem>>) -> (i32, i32, i32, i32) {
    %c0_i32 = arith.constant 0 : i32
    %c0_i32_0 = arith.constant 0 : i32
    %c0_i32_1 = arith.constant 0 : i32
    %c0_i32_2 = arith.constant 0 : i32
    %c0_i32_3 = arith.constant 0 : i32
    return %c0_i32, %c0_i32_0, %c0_i32_1, %c0_i32_2 : i32, i32, i32, i32
  }
  func.func @transform_13(%arg0: i32, %arg1: memref<64xi32, #tpu.memory_space<smem>>) -> (i32, i32, i32) {
    %c0_i32 = arith.constant 0 : i32
    %c0_i32_0 = arith.constant 0 : i32
    %c0_i32_1 = arith.constant 0 : i32
    return %arg0, %c0_i32, %c0_i32_0 : i32, i32, i32
  }
  func.func @transform_14(%arg0: i32, %arg1: memref<64xi32, #tpu.memory_space<smem>>) -> (i32, i32, i32) {
    %c0_i32 = arith.constant 0 : i32
    %c0_i32_0 = arith.constant 0 : i32
    %c0_i32_1 = arith.constant 0 : i32
    return %arg0, %c0_i32, %c0_i32_0 : i32, i32, i32
  }
  func.func @transform_15(%arg0: i32, %arg1: memref<64xi32, #tpu.memory_space<smem>>) -> (i32, i32, i32, i32) {
    %c0_i32 = arith.constant 0 : i32
    %c0_i32_0 = arith.constant 0 : i32
    %c0_i32_1 = arith.constant 0 : i32
    %c0_i32_2 = arith.constant 0 : i32
    return %arg0, %c0_i32, %c0_i32_0, %c0_i32_1 : i32, i32, i32, i32
  }
}

</mosaic_0001>

<sc_bundles>
// kernel: kernel.4.cloned.1.call-start
scs
__scs_entry_jumppad:
0x0: {  	(pc) =	sbr.rel $0x88, $3  }
0x1: {  	(tag) =	ssettag $0x0;
	lr =	simm.s32 $0x1  }
0x2: {  	[smem:$0x3F98] =	sst lr;
	_ =	strace $0xD0000000  }
0x3: {  	_ = 	snop  }
0x4: {  	_ = 	snop  }
0x5: {  	_ = 	snop  }
0x6: {  	_ = 	snop  }
0x7: {  	_ = 	snop  }
__scs_overlays_trampoline_lowered:
0x8: {  	[smem:$0x3FA7] =	sst s0  }
0x9: {  	[smem:$0x3FA8] =	sst s1  }
0xa: {  	[smem:$0x3FA9] =	sst s2  }
0xb: {  	[smem:$0x3FAA] =	sst s3  }
0xc: {  	[smem:$0x3FAB] =	sst s4  }
0xd: {  	[smem:$0x3FAC] =	sst s5  }
0xe: {  	[smem:$0x3FAD] =	sst s6  }
0xf: {  	[smem:$0x3FAE] =	sst s7  }
0x10: {  	[smem:$0x3FAF] =	sst s8  }
0x11: {  	[smem:$0x3FB0] =	sst s9;
	s0 =	simm.s32 @!p0 $0x0  }
0x12: {  	s1 =	sld [smem:$0x3F96];
	s0 =	simm.s32 @p0 $0x1  }
0x13: {  	[smem:$0x3FB1] =	sst s0;
	s0 =	simm.s32 @!p1 $0x0  }
0x14: {  	s2 =	sld [smem:$0x3F95];
	s0 =	simm.s32 @p1 $0x1  }
0x15: {  	[smem:$0x3FB2] =	sst s0;
	s0 =	simm.s32 @!p2 $0x0  }
0x16: {  	s3 =	sld [smem:$0x3FDB];
	s0 =	simm.s32 @p2 $0x1  }
0x17: {  	s4 =	simm.s32 $0x1BF5;
	[smem:$0x3FB4] =	sst s0  }
0x18: {  	s0 =	sld [smem:$0x3F97];
	_ =	swait.ge [sflag:s4], $0x0  }
0x19: {  	s7 =	sld [smem:$0x3F98]  }
0x1a: {  	s8 =	sadd.s32 $0xFFFFE003, lr  }
0x1b: {  	s9 =	sadd.s32 $0xFFFFFEF7, lr;
	s5 =	simm.s32 $0xFFFFFFFF;
	p2 =	slt.u32 s8, $0xFFFFF086  }
0x1c: {  	p1 =	slt.u32 s9, $0xF7A;
	s5 =	simm.s32 @!p2 $0x0  }
0x1d: {  	s5 =	simm.s32 @p1 $0x1;
	p0 =	seq.s32 s7, s2  }
0x1e: {  	s7 =	smul.u32 @!p0 $0xF7A, s2;
	p2 =	seq.s32 @!p0 s5, $0x0  }
0x1f: {  	s9 =	smul.u32 $0xF7A, s1;
	s8 =	simm.s32 @!p0 $0x1BF5;
	p2 =	por !p2, p0  }
0x20: {  	[sflag:s8] =	ssyncset.s32 @!p0 $0xFFFFF086;
	s6 =	sadd.s32 @!p0 s3, s7;
	s7 =	simm.s32 @!p0 $0x108  }
0x21: {  	s3 =	sadd.s32 s3, s9;
	s6 =	sadd.s32 @!p0 $0x88, s6;
	s7 =	simm.s32 @p2 $0x1082  }
0x22: {  	[simem:s7], [sflag:s8] =	dma.local @!p0 [hbm:s6], $0xF7A  }
0x23: {  	s9 =	sor.u32 $0xD0000000, s2;
	s6 =	simm.s32 $0x108;
	_ =	swait.ge @!p0 [sflag:s8], $0x0  }
0x24: {  	s3 =	sadd.s32 $0x88, s3;
	s6 =	simm.s32 @!p1 $0x1082;
	[sflag:s4] =	ssyncset.s32 $0xFFFFF086  }
0x25: {  	[simem:s6], [sflag:s4] =	dma.local [hbm:s3], $0xF7A  }
0x26: {  	[smem:$0x3F98] =	sst s1;
	(tag) =	ssettag s2;
	_ =	strace s9  }
0x27: {  	s1 =	sld [smem:$0x3FA8]  }
0x28: {  	s2 =	sld [smem:$0x3FA9]  }
0x29: {  	s4 =	sld [smem:$0x3FAB]  }
0x2a: {  	p0 =	seq.s32 s5, $0x0;
	s5 =	sld [smem:$0x3FAC]  }
0x2b: {  	s6 =	sld [smem:$0x3FAD]  }
0x2c: {  	s7 =	sld [smem:$0x3FAE]  }
0x2d: {  	s3 =	simm.s32 $0x108;
	s8 =	sld [smem:$0x3FAF]  }
0x2e: {  	s3 =	simm.s32 @!p0 $0x1082;
	s9 =	sld [smem:$0x3FB0]  }
0x2f: {  	lr =	sadd.s32 s0, s3;
	s0 =	sld [smem:$0x3FA7]  }
0x30: {  	s3 =	sld [smem:$0x3FAA]  }
0x31: {  	[smem:$0x3FB3] =	sst s10  }
0x32: {  	s10 =	sld [smem:$0x3FB1];
	_ =	sdelay $0x3  }
0x33: {  	p0 =	seq.s32 s10, $0x1;
	s10 =	sld [smem:$0x3FB3];
	_ =	sdelay $0x3  }
0x34: {  	[smem:$0x3FB3] =	sst s10  }
0x35: {  	s10 =	sld [smem:$0x3FB2];
	_ =	sdelay $0x3  }
0x36: {  	p1 =	seq.s32 s10, $0x1;
	s10 =	sld [smem:$0x3FB3];
	_ =	sdelay $0x3  }
0x37: {  	[smem:$0x3FB3] =	sst s10  }
0x38: {  	s10 =	sld [smem:$0x3FB4]  }
0x39: {  	_ = 	snop;
	(pc) =	sbr.ind lr, $3  }
0x3a: {  	_ = 	snop  }
0x3b: {  	_ = 	snop  }
0x3c: {  	p2 =	seq.s32 s10, $0x1;
	s10 =	sld [smem:$0x3FB3]  }
0x3d: {  	_ =	shalt  }
0x3e: {  	_ =	shalt  }
0x3f: {  	_ =	shalt  }
0x40: {  	_ =	shalt  }
0x41: {  	_ =	shalt  }
0x42: {  	_ =	shalt  }
0x43: {  	_ =	shalt  }
0x44: {  	_ =	shalt  }
0x45: {  	_ =	shalt  }
0x46: {  	_ =	shalt  }
0x47: {  	_ =	shalt  }
0x48: {  	_ =	shalt  }
0x49: {  	_ =	shalt  }
0x4a: {  	_ =	shalt  }
0x4b: {  	_ =	shalt  }
0x4c: {  	_ =	shalt  }
0x4d: {  	_ =	shalt  }
0x4e: {  	_ =	shalt  }
0x4f: {  	_ =	shalt  }
0x50: {  	_ =	shalt  }
0x51: {  	_ =	shalt  }
0x52: {  	_ =	shalt  }
0x53: {  	_ =	shalt  }
0x54: {  	_ =	shalt  }
0x55: {  	_ =	shalt  }
0x56: {  	_ =	shalt  }
0x57: {  	_ =	shalt  }
0x58: {  	_ =	shalt  }
0x59: {  	_ =	shalt  }
0x5a: {  	_ =	shalt  }
0x5b: {  	_ =	shalt  }
0x5c: {  	_ =	shalt  }
0x5d: {  	_ =	shalt  }
0x5e: {  	_ =	shalt  }
0x5f: {  	_ =	shalt  }
0x60: {  	_ =	shalt  }
0x61: {  	_ =	shalt  }
0x62: {  	_ =	shalt  }
0x63: {  	_ =	shalt  }
0x64: {  	_ =	shalt  }
0x65: {  	_ =	shalt  }
0x66: {  	_ =	shalt  }
0x67: {  	_ =	shalt  }
0x68: {  	_ =	shalt  }
0x69: {  	_ =	shalt  }
0x6a: {  	_ =	shalt  }
0x6b: {  	_ =	shalt  }
0x6c: {  	_ =	shalt  }
0x6d: {  	_ =	shalt  }
0x6e: {  	_ =	shalt  }
0x6f: {  	_ =	shalt  }
0x70: {  	_ =	shalt  }
0x71: {  	_ =	shalt  }
0x72: {  	_ =	shalt  }
0x73: {  	_ =	shalt  }
0x74: {  	_ =	shalt  }
0x75: {  	_ =	shalt  }
0x76: {  	_ =	shalt  }
0x77: {  	_ =	shalt  }
0x78: {  	_ =	shalt  }
0x79: {  	_ =	shalt  }
0x7a: {  	_ =	shalt  }
0x7b: {  	_ =	shalt  }
0x7c: {  	_ =	shalt  }
0x7d: {  	_ =	shalt  }
0x7e: {  	_ =	shalt  }
0x7f: {  	_ =	shalt  }
0x80: {  	_ =	shalt  }
0x81: {  	_ =	shalt  }
0x82: {  	_ =	shalt  }
0x83: {  	_ =	shalt  }
0x84: {  	_ =	shalt  }
0x85: {  	_ =	shalt  }
0x86: {  	_ =	shalt  }
0x87: {  	_ =	shalt  }
.Lfunc_end0:
.L_simem_size_0:
called_computation_lowered:
.L_overlay_start_0:
0x88: {  	s2 =	sld [smem:$0x3FD9]  }
0x89: {  	s3 =	sld [smem:$0x3FFE];
	_ =	sdelay $0x1  }
0x8a: {  	s1 =	srdreg.scid  }
0x8b: {  	s0 =	sand.u32 $0x1, s1  }
0x8c: {  	s17 =	sshll.u32 s0, $0xA;
	s2 =	sadd.s32 s3, s2  }
0x8d: {  	s2 =	sadd.s32 s2, s17  }
0x8e: {  	[smem:$0x3FBF] =	sst s2  }
0x8f: {  	_ = 	snop  }
0x90: {  	s2 =	sld [smem:$0x3FC5]  }
0x91: {  	s18 =	sld [smem:$0x3FC4]  }
0x92: {  	s4 =	sld [smem:$0x3FD0];
	(tm) =	ssettm $0x1  }
0x93: {  	s5 =	sld [smem:$0x3FFB];
	_ =	sdelay $0x3  }
0x94: {  	_ =	strace s5  }
0x95: {  	s5 =	sld [smem:$0x3FFC];
	_ =	sdelay $0x3  }
0x96: {  	_ =	strace s5  }
0x97: {  	s5 =	sld [smem:$0x3FFD];
	_ =	sdelay $0x3  }
0x98: {  	_ =	strace s5  }
0x99: {  	_ =	strace $0x8FFFFFFF  }
0x9a: {  	s19 =	sld [smem:$0x3FDB];
	_ =	sdelay $0x1  }
0x9b: {  	s6 =	simm.s32 $_scs_section_size  }
0x9c: {  	s7 =	simm.s32 $_size__tile_overlayer_lowered;
	s8 =	simm.s32 $_tile_overlayer_lowered  }
0x9d: {  	s22 =	simm.s32 $0x1BFF;
	s21 =	sshll.u32 s8, $0x1;
	s5 =	sadd.s32 s6, s19  }
0x9e: {  	s9 =	simm.s32 $0x0;
	s20 =	sshll.u32 s7, $0x1;
	s7 =	sadd.s32 s21, s5  }
0x9f: {  	[timem:s9], [sflag:s22] =	dma.local [hbm:s7], s20  }
0xa0: {  	_ =	swait.ge [sflag:s22], s20  }
0xa1: {  	s6 =	ssub.s32 $0x0, s20;
	[sflag:s22] =	ssyncset.done $0x0  }
0xa2: {  	[sflag:s22] =	ssyncadd.s32 s6;
	_ =	sdelay $0x1  }
0xa3: {  	s23 =	simm.s32 $0x1B8B  }
0xa4: {  	_ =	swait.ge [sflag:s23], $0x1  }
0xa5: {  	[sflag:s23] =	ssyncset.done $0x0  }
0xa6: {  	s25 =	simm.s32 $0x1B8E;
	s24 =	sld [smem:$0x3FFE];
	[sflag:s23] =	ssyncadd.s32 $0xFFFFFFFF  }
0xa7: {  	s26 =	simm.s32 $execute0_lowered;
	[smem:$0x3FD2] =	sst s25  }
0xa8: {  	s7 =	sshll.u32 s26, $0x1;
	_ =	strace $0x80000046;
	[dreg:$0x1] =	wrdreg $0xFFFFFFFF  }
0xa9: {  	s28 =	simm.s32 $_size_execute0_lowered;
	s5 =	sadd.s32 s5, s7;
	[dreg:$0x0] =	wrdreg $0x0  }
0xaa: {  	s7 =	sshll.u32 s28, $0x1;
	[dreg:$0x2] =	wrdreg s5  }
0xab: {  	[dreg:$0x3] =	wrdreg s7  }
0xac: {  	[dreg:$0x4] =	wrdreg $0xC0  }
0xad: {  	_ =	task [dreg:s9], $0x5FFFF  }
0xae: {  	[dreg:$0x1] =	wrdreg $0xFFFFFFFF  }
0xaf: {  	[dreg:$0x0] =	wrdreg $0x60  }
0xb0: {  	[dreg:$0x2] =	wrdreg s24  }
0xb1: {  	[dreg:$0x3] =	wrdreg s2  }
0xb2: {  	[dreg:$0x4] =	wrdreg s18  }
0xb3: {  	[dreg:$0x5] =	wrdreg s4  }
0xb4: {  	[dreg:$0x6] =	wrdreg $0x9  }
0xb5: {  	_ =	task.clear_ibuf [dreg:s9], $0x7FFFF;
	_ =	strace $0x90000046  }
0xb6: {  	s29 =	simm.s32 $0x9;
	_ =	strace $0x80000048  }
0xb7: {  	_ =	swait.ge [sflag:s29], $0x1  }
0xb8: {  	[sflag:s29] =	ssyncadd.s32 $0xFFFFFFFF  }
0xb9: {  	_ =	strace $0x90000048  }
0xba: {  	_ =	sfence  }
0xbb: {  	s30 =	sld [smem:$0x0];
	_ =	sdelay $0x2  }
0xbc: {  	s31 =	sshll.u32 s1, $0xD;
	s1 =	sshrl.u32 s1, $0x2  }
0xbd: {  	s3 =	sand.u32 $0x4000, s31;
	s1 =	sadd.s32 s1, s30  }
0xbe: {  	s0 =	sor.u32 s3, s0;
	s1 =	sshll.u32 s1, $0x11  }
0xbf: {  	s0 =	sor.u32 s1, s0  }
0xc0: {  	s0 =	sadd.s32 $0x8F2B, s0  }
0xc1: {  	[sflag:s0] =	ssyncadd.remote.s32 $0x1  }
0xc2: {  	_ =	sfence.sel $0xFFFF  }
0xc3: {  	[dreg:$0x0] =	wrdreg $0xFFFFFFFF;
	(pc) =	sbr.abs _section_cstart, $3  }
0xc4: {  	[dreg:$0x1] =	wrdreg $0xFFFFFFFF  }
0xc5: {  	_ =	task.clear_ibuf [dreg:s9], $0x2FFFF;
	_ =	strace $0x9FFFFFFF  }
0xc6: {  	(tm) =	ssettm $0x7FFFFFFF  }
0xc7: {  	_ =	shalt  }
tec
execute0_lowered:
.L_overlay_start_1:
0x0: {  	(tag) =	ssettag $0x1  }
0x1: {  	s10 =	rddreg [dreg:$0x0]  }
0x2: {  	s1 =	rddreg [dreg:$0x1]  }
0x3: {  	s2 =	srdreg.scid;
	s0 =	stileid.u32  }
0x4: {  	s3 =	rddreg [dreg:$0x2];
	s11 =	sand.u32 $0x1, s2;
	s31 =	sshll.u32 s0, $0x1  }
0x5: {  	s9 =	rddreg [dreg:$0x3];
	s12 =	sor.u32 s11, s31  }
0x6: {  	s4 =	simm.s32 $0x0;
	s2 =	rddreg [dreg:$0x4];
	s5 =	sshll.u32 s12, $0x4  }
0x7: {  	[smem:$0x7FF] =	sst s4;
	s5 =	sadd.s32 s5, s10  }
0x8: {  	_ =	strace $0x80000047;
	s6 =	sadd.s32 $0x1800, s5;
	s5 =	simm.s32 $0x2  }
0x9: {  	[tilespmem:s4], [sflag:$0x2] =	stream.linear.gather [hbm4b:s6+s4], $0x80, $0x38;
	[tilespmem:$0x8080] =	vst v63  }
0xa: {  	_ =	swait.ge [sflag:s5], $0x80  }
0xb: {  	[sflag:s5] =	ssyncset.done $0x0  }
0xc: {  	s7 =	simm.s32 $0x80;
	s8 =	simm.s32 $0x1;
	[sflag:s5] =	ssyncadd.s32 $0xFFFFFF80  }
0xd: {  	[tilespmem:s7], [sflag:$0x1] =	stream.indirect.gather [hbm4b:s1+s5], $0x4000, s4, s5, $0xb8;
	[tilespmem:$0x8080] =	vst v63  }
0xe: {  	_ =	swait.ge [sflag:s8], $0x8000  }
0xf: {  	s12 =	sshll.u32 s12, $0xC;
	[sflag:s8] =	ssyncset.done $0x0  }
0x10: {  	s11 =	ssub.s32 $0x2, s11;
	s9 =	sadd.s32 s9, s12;
	[sflag:s8] =	ssyncadd.s32 $0xFFFF8000  }
0x11: {  	[hbm4b:s9+s4] =	stream.linear.scatter [tilespmem:s7], [sflag:$0x2], $0x8000, $0x38;
	[tilespmem:$0x8080] =	vst v63  }
0x12: {  	s13 =	sshrl.u32 s11, $0x1;
	_ =	swait.ge [sflag:s5], $0x8000  }
0x13: {  	s11 =	ssub.s32 s11, s13;
	[sflag:s5] =	ssyncset.done $0x0  }
0x14: {  	s11 =	smax.u32 s11, $0x1;
	[sflag:s5] =	ssyncadd.s32 $0xFFFF8000  }
0x15: {  	[tilespmem:s7], [sflag:$0x1] =	stream.indirect.gather [hbm4b:s3+s5], $0x4000, s4, s5, $0xb8;
	[tilespmem:$0x8080] =	vst v63  }
0x16: {  	p0 =	sne.s32 s11, $0x1;
	_ =	swait.ge [sflag:s8], $0x8000  }
.Ltmp0:
0x17: {  	s10 =	sadd.s32 s12, s10;
	[sflag:s8] =	ssyncset.done $0x0;
	(pc) =	sbr.rel @!p0 .LBB2_2-.Ltmp0, $4  }
0x18: {  	s10 =	sadd.s32 $0x1A00, s10;
	[sflag:s8] =	ssyncadd.s32 $0xFFFF8000  }
0x19: {  	[hbm4b:s10+s4] =	stream.linear.scatter [tilespmem:s7], [sflag:$0x2], $0x8000, $0x38;
	[tilespmem:$0x8080] =	vst v63  }
0x1a: {  	_ =	swait.ge [sflag:s5], $0x8000  }
0x1b: {  	s11 =	sadd.s32 $0xFFFFFFFF, s11;
	[sflag:s5] =	ssyncset.done $0x0  }
.LBB2_1:
0x1c: {  	p0 =	sne.s32 s11, $0x1;
	s11 =	sadd.s32 $0xFFFFFFFF, s11;
	[sflag:s5] =	ssyncadd.s32 $0xFFFF8000  }
0x1d: {  	[tilespmem:s4], [sflag:$0x2] =	stream.linear.gather [hbm4b:s6+s4], $0x80, $0x38;
	[tilespmem:$0x8080] =	vst v63  }
0x1e: {  	_ =	swait.ge [sflag:s5], $0x80  }
0x1f: {  	[sflag:s5] =	ssyncset.done $0x0  }
0x20: {  	[sflag:s5] =	ssyncadd.s32 $0xFFFFFF80  }
0x21: {  	[tilespmem:s7], [sflag:$0x1] =	stream.indirect.gather [hbm4b:s1+s5], $0x4000, s4, s5, $0xb8;
	[tilespmem:$0x8080] =	vst v63  }
0x22: {  	_ =	swait.ge [sflag:s8], $0x8000  }
0x23: {  	[sflag:s8] =	ssyncset.done $0x0  }
0x24: {  	[sflag:s8] =	ssyncadd.s32 $0xFFFF8000  }
0x25: {  	[hbm4b:s9+s4] =	stream.linear.scatter [tilespmem:s7], [sflag:$0x2], $0x8000, $0x38;
	[tilespmem:$0x8080] =	vst v63  }
0x26: {  	_ =	swait.ge [sflag:s5], $0x8000  }
0x27: {  	[sflag:s5] =	ssyncset.done $0x0  }
0x28: {  	[sflag:s5] =	ssyncadd.s32 $0xFFFF8000  }
0x29: {  	[tilespmem:s7], [sflag:$0x1] =	stream.indirect.gather [hbm4b:s3+s5], $0x4000, s4, s5, $0xb8;
	[tilespmem:$0x8080] =	vst v63  }
0x2a: {  	_ =	swait.ge [sflag:s8], $0x8000  }
.Ltmp1:
0x2b: {  	[sflag:s8] =	ssyncset.done $0x0;
	(pc) =	sbr.rel @p0 .LBB2_1-.Ltmp1, $4  }
0x2c: {  	[sflag:s8] =	ssyncadd.s32 $0xFFFF8000  }
0x2d: {  	[hbm4b:s10+s4] =	stream.linear.scatter [tilespmem:s7], [sflag:$0x2], $0x8000, $0x38;
	[tilespmem:$0x8080] =	vst v63  }
0x2e: {  	_ =	swait.ge [sflag:s5], $0x8000  }
0x2f: {  	[sflag:s5] =	ssyncset.done $0x0  }
.LBB2_2:
0x30: {  	[sflag:s5] =	ssyncadd.s32 $0xFFFF8000  }
0x31: {  	_ =	sfence.sel $0x180000  }
0x32: {  	[bflag:$0x0] =	sbarrier.arrive $0xFFFF  }
0x33: {  	p0 =	sne.s32 s0, $0x0;
	_ =	strace $0x90000047  }
0x34: {  	s0 =	sadd.s32 @!p0 $0x100000, s2;
	[bflag:$0x2] =	sbarrier.arrive $0xFFFF  }
0x35: {  	[sflag:s0] =	ssyncadd.tile.s32 @!p0 $0x1;
	_ =	shalt  }
.Lfunc_end2:
_tile_overlayer_lowered:
.L_overlay_start_2:
0x36: {  	(tag) =	ssettag $0x2  }
0x37: {  	s0 =	rddreg [dreg:$0x0];
	s2 =	stileid.u32  }
0x38: {  	s1 =	rddreg [dreg:$0x1];
	p0 =	sne.s32 s2, $0x0  }
0x39: {  	s3 =	rddreg [dreg:$0x2];
	[bflag:$0x3] =	sbarrier.arrive $0xFFFF;
	s2 =	simm.s32 @!p0 $0x1C02  }
0x3a: {  	[timem:s3], [sflag:s2] =	dma.local @!p0 [hbm:s0], s1  }
0x3b: {  	s0 =	simm.s32 @!p0 $0x2  }
0x3c: {  	_ =	swait.ge @!p0 [sflag:s0], s1  }
0x3d: {  	s1 =	ssub.s32 @!p0 $0x0, s1;
	[sflag:s0] =	ssyncset.done @!p0 $0x0  }
0x3e: {  	[sflag:s0] =	ssyncadd.s32 @!p0 s1  }
0x3f: {  	[bflag:$0x3] =	sbarrier.arrive $0xFFFF  }
0x40: {  	_ =	shalt  }

</sc_bundles>
